<compile_context>
chip_gen: v7x
topology: tpu7x:2x2x1
jax: 0.10.2.dev20260603
libtpu: 0.0.44.dev20260713+nightly
codegen_flags: <defaults>
</compile_context>

<pallas_src>
import jax
import jax.numpy as jnp
from jax import lax
from jax.experimental import pallas as pl
from jax.experimental.pallas import tpu as pltpu
from jax.experimental.pallas import tpu_sc as plsc

_NC = 2
_NS = 16
_L = 16

_POOL = 4
_D = 1024
_N_OUT = 2048

_SC_OUT = 512
_ROWS_PER_W = _SC_OUT // (_NC * _NS)
_CHUNK_OUT = 8
_N_CHUNKS = _ROWS_PER_W // _CHUNK_OUT
_CHUNK_IN = _CHUNK_OUT * _POOL


def _sc_body(x_hbm, out_hbm, in_v0, in_v1, out_v0, out_v1,
             isem0, isem1, osem0, osem1):
    wid = lax.axis_index("s") * _NC + lax.axis_index("c")
    out_base = wid * _ROWS_PER_W
    in_base = out_base * _POOL

    in_bufs = (in_v0, in_v1)
    out_bufs = (out_v0, out_v1)
    in_sems = (isem0, isem1)
    out_sems = (osem0, osem1)

    def start_in(c):
        return pltpu.async_copy(
            x_hbm.at[pl.ds(in_base + c * _CHUNK_IN, _CHUNK_IN)],
            in_bufs[c % 2], in_sems[c % 2])

    def start_out(c):
        return pltpu.async_copy(
            out_bufs[c % 2],
            out_hbm.at[pl.ds(out_base + c * _CHUNK_OUT, _CHUNK_OUT)],
            out_sems[c % 2])

    pending_in = {0: start_in(0)}
    pending_out = {}

    for c in range(_N_CHUNKS):
        if c + 1 < _N_CHUNKS:
            pending_in[c + 1] = start_in(c + 1)
        pending_in.pop(c).wait()
        if c - 2 in pending_out:
            pending_out.pop(c - 2).wait()

        in_v = in_bufs[c % 2]
        out_v = out_bufs[c % 2]

        @plsc.parallel_loop(0, _D // _L, unroll=4)
        def col_group(g):
            off = pl.multiple_of(g * _L, _L)
            for r in range(_CHUNK_OUT):
                a = in_v[4 * r + 0, pl.ds(off, _L)]
                b = in_v[4 * r + 1, pl.ds(off, _L)]
                cc = in_v[4 * r + 2, pl.ds(off, _L)]
                d = in_v[4 * r + 3, pl.ds(off, _L)]
                out_v[r, pl.ds(off, _L)] = ((a + b) + (cc + d)) * 0.25

        pending_out[c] = start_out(c)

    for c in sorted(pending_out):
        pending_out.pop(c).wait()


def _sc_pool(x):
    mesh = plsc.VectorSubcoreMesh(core_axis_name="c", subcore_axis_name="s")
    return pl.kernel(
        _sc_body,
        out_type=jax.ShapeDtypeStruct((_SC_OUT, _D), jnp.float32),
        mesh=mesh,
        scratch_types=[
            pltpu.VMEM((_CHUNK_IN, _D), jnp.float32),
            pltpu.VMEM((_CHUNK_IN, _D), jnp.float32),
            pltpu.VMEM((_CHUNK_OUT, _D), jnp.float32),
            pltpu.VMEM((_CHUNK_OUT, _D), jnp.float32),
            pltpu.SemaphoreType.DMA,
            pltpu.SemaphoreType.DMA,
            pltpu.SemaphoreType.DMA,
            pltpu.SemaphoreType.DMA,
        ],
    )(x)


def _tc_body(x_ref, o_ref):
    s = (x_ref[0::4, :] + x_ref[1::4, :]) + (x_ref[2::4, :] + x_ref[3::4, :])
    o_ref[...] = s * 0.25


def _tc_body_aliased(x_ref, prev_ref, o_ref):
    del prev_ref
    s = (x_ref[0::4, :] + x_ref[1::4, :]) + (x_ref[2::4, :] + x_ref[3::4, :])
    o_ref[...] = s * 0.25


def _tc_pool(x):
    b_out = pl.pallas_call(
        _tc_body,
        grid=(1, _D // 128),
        in_specs=[pl.BlockSpec((2048, 128), lambda i, j: (i + 1, j))],
        out_specs=pl.BlockSpec((512, 128), lambda i, j: (i + 1, j)),
        out_shape=jax.ShapeDtypeStruct((_N_OUT, _D), jnp.float32),
    )(x)
    return pl.pallas_call(
        _tc_body_aliased,
        grid=(1, _D // 128),
        in_specs=[
            pl.BlockSpec((4096, 128), lambda i, j: (i + 1, j)),
            pl.BlockSpec(memory_space=pl.ANY),
        ],
        out_specs=pl.BlockSpec((1024, 128), lambda i, j: (i + 1, j)),
        out_shape=jax.ShapeDtypeStruct((_N_OUT, _D), jnp.float32),
        input_output_aliases={1: 0},
    )(x, b_out)


def kernel(x, comp_rate, seqlens):
    del comp_rate, seqlens
    sc_out = _sc_pool(x)
    tc_out = _tc_pool(x)
    return lax.dynamic_update_slice(tc_out, sc_out, (0, 0))

# --- scband reference (transcript-rebuilt; emitter-appended) ---
"""Pipeline reference for scband-pooling-module-45681272160839 (READ-ONLY COPY).

The authoritative reference and input builder live on the scoring server;
editing this copy changes nothing except your own understanding.
"""

import jax, jax.numpy as jnp
import numpy as np


def split_integer(x, n):
    if n > 0:
        base = x // n
        remainder = x % n
        result = [base] * n
        for i in range(remainder):
            result[i] += 1
        return result
    else:
        n = -n
        base = x // n
        remainder = x % n
        if remainder > 0:
            result = (base + 1) * [x // (base + 1)]
            for i in range(x % (base + 1)):
                result[i] += 1
        else:
            result = [n] * base
        assert sum(result) == x
        return result


def build_pool_mask(seqlens, comp_rate):
    # pool_type = 'mean' (not 'last', not 'sum', no 'smart'/'metric_')
    pool_size = []
    new_seqlens = []
    for embed_size in seqlens:
        if comp_rate == 0:
            ce = [embed_size]
        elif comp_rate > 0 and embed_size // comp_rate == 0:
            ce = [1] * embed_size
        elif comp_rate < -1 and embed_size // abs(comp_rate) == 0:
            ce = [embed_size]
        else:
            ce = split_integer(embed_size, comp_rate)
        pool_size.extend(ce)
        new_seqlens.append(len(ce))
    total = sum(pool_size)
    mask = np.zeros((len(pool_size), total), dtype=np.float32)
    off = 0
    for i, t in enumerate(pool_size):
        mask[i, off:off + t] = 1.0 / t  # mean pooling block: ones(t)/t
        off += t
    return jnp.asarray(mask), new_seqlens


def setup_inputs(seed: int = 0):
    key = jax.random.key(seed)
    seqlens = np.array([1024] * 8, dtype=np.int64)  # sums to total_tokens=8192
    total = int(seqlens.sum())
    x = jax.random.normal(key, (total, 1024), dtype=jnp.float32)
    return {"x": x, "comp_rate": -4, "seqlens": seqlens}


def reference(x, comp_rate, seqlens):
    n_seqs = seqlens.shape[0]
    each_len = x.shape[0] // n_seqs
    seqlens_l = [each_len] * n_seqs
    pool_mask, new_seqlens = build_pool_mask(seqlens_l, -4)
    queries = pool_mask @ x
    anchor = (jnp.sum(seqlens) + jnp.asarray(comp_rate)).astype(x.dtype) * 0.0
    return queries + anchor

if __name__ == "__main__":
    import jax
    _d = setup_inputs()
    print(jax.jit(kernel)(*tuple(_d.values())))

</pallas_src>

<mosaic_0001>
#map = affine_map<(d0, d1) -> (0, 0)>
module attributes {stable_mosaic.version = 14 : i64} {
  func.func @_sc_body(%arg0: i32, %arg1: i32, %arg2: memref<8192x1024xf32, #tpu.memory_space<hbm>>, %arg3: memref<512x1024xf32, #tpu.memory_space<hbm>>, %arg4: memref<32x1024xf32, #tpu.memory_space<vmem>>, %arg5: memref<32x1024xf32, #tpu.memory_space<vmem>>, %arg6: memref<8x1024xf32, #tpu.memory_space<vmem>>, %arg7: memref<8x1024xf32, #tpu.memory_space<vmem>>, %arg8: memref<!tpu.dma_semaphore, #tpu.memory_space<semaphore_mem>>, %arg9: memref<!tpu.dma_semaphore, #tpu.memory_space<semaphore_mem>>, %arg10: memref<!tpu.dma_semaphore, #tpu.memory_space<semaphore_mem>>, %arg11: memref<!tpu.dma_semaphore, #tpu.memory_space<semaphore_mem>>) attributes {dimension_semantics = [#tpu.dimension_semantics<core_parallel>, #tpu.dimension_semantics<subcore_parallel>], iteration_bounds = array<i64: 2, 16>, scalar_prefetch = 0 : i64, scratch_operands = 8 : i64, tpu.core_type = #tpu.core_type<sc_vector_subcore>, window_params = [{transform_indices = #map}, {transform_indices = #map}]} {
    %mul3A = arith.constant 2 : i32
    %mul3A_0 = arith.muli %arg1, %mul3A : i32
    %add3A = arith.addi %mul3A_0, %arg0 : i32
    %mul3A_1 = arith.constant 16 : i32
    %mul3A_2 = arith.muli %add3A, %mul3A_1 : i32
    %mul3A_3 = arith.constant 4 : i32
    %mul3A_4 = arith.muli %mul3A_2, %mul3A_3 : i32
    %add3A_5 = arith.constant 0 : i32
    %add3A_6 = arith.addi %mul3A_4, %add3A_5 : i32
    %dma_start3A = arith.constant 0 : i32
    %dma_start3A_7 = tpu.memref_slice %arg2[%add3A_6, %dma_start3A] : memref<8192x1024xf32, #tpu.memory_space<hbm>> -> memref<32x1024xf32, #tpu.memory_space<hbm>>
    %dma_start3A_8 = arith.constant 0 : i32
    %dma_start3A_9 = tpu.memref_slice %arg2[%add3A_6, %dma_start3A_8] : memref<8192x1024xf32, #tpu.memory_space<hbm>> -> memref<32x1024xf32, #tpu.memory_space<hbm>>
    tpu.enqueue_dma source(%dma_start3A_9 : memref<32x1024xf32, #tpu.memory_space<hbm>>) target(%arg4 : memref<32x1024xf32, #tpu.memory_space<vmem>>) target_semaphore(%arg8 : memref<!tpu.dma_semaphore, #tpu.memory_space<semaphore_mem>>)
    %add3A_10 = arith.constant 32 : i32
    %add3A_11 = arith.addi %mul3A_4, %add3A_10 : i32
    %dma_start3A_12 = arith.constant 0 : i32
    %dma_start3A_13 = tpu.memref_slice %arg2[%add3A_11, %dma_start3A_12] : memref<8192x1024xf32, #tpu.memory_space<hbm>> -> memref<32x1024xf32, #tpu.memory_space<hbm>>
    %dma_start3A_14 = arith.constant 0 : i32
    %dma_start3A_15 = tpu.memref_slice %arg2[%add3A_11, %dma_start3A_14] : memref<8192x1024xf32, #tpu.memory_space<hbm>> -> memref<32x1024xf32, #tpu.memory_space<hbm>>
    tpu.enqueue_dma source(%dma_start3A_15 : memref<32x1024xf32, #tpu.memory_space<hbm>>) target(%arg5 : memref<32x1024xf32, #tpu.memory_space<vmem>>) target_semaphore(%arg9 : memref<!tpu.dma_semaphore, #tpu.memory_space<semaphore_mem>>)
    %dma_wait3A = arith.constant 0 : i32
    %dma_wait3A_16 = tpu.memref_slice %arg2[%add3A_6, %dma_wait3A] : memref<8192x1024xf32, #tpu.memory_space<hbm>> -> memref<32x1024xf32, #tpu.memory_space<hbm>>
    %dma_wait3A_17 = arith.constant 0 : i32
    %dma_wait3A_18 = tpu.memref_slice %arg2[%add3A_6, %dma_wait3A_17] : memref<8192x1024xf32, #tpu.memory_space<hbm>> -> memref<32x1024xf32, #tpu.memory_space<hbm>>
    tpu.wait_dma2 semaphore(%arg8 : memref<!tpu.dma_semaphore, #tpu.memory_space<semaphore_mem>>) src(%dma_wait3A_18 : memref<32x1024xf32, #tpu.memory_space<hbm>>) dst(%arg4 : memref<32x1024xf32, #tpu.memory_space<vmem>>)
    %parallel_loop3A = arith.constant 0 : i32
    %parallel_loop3A_19 = arith.constant 64 : i32
    %parallel_loop3A_20 = arith.constant 1 : i32
    scf.for %parallel_loop3A_48 = %parallel_loop3A to %parallel_loop3A_19 step %parallel_loop3A_20  : i32 {
      %parallel_loop3A_49 = arith.constant 16 : i32
      %parallel_loop3A_50 = arith.muli %parallel_loop3A_48, %parallel_loop3A_49 : i32
      %parallel_loop3A_51 = tpu.assume_multiple %parallel_loop3A_50, 16 : i32
      %parallel_loop3A_52 = arith.constant 0 : i32
      %parallel_loop3A_53 = arith.index_cast %parallel_loop3A_52 : i32 to index
      %parallel_loop3A_54 = arith.index_cast %parallel_loop3A_51 : i32 to index
      %parallel_loop3A_55 = tpu.vector_load %arg4[%parallel_loop3A_53, %parallel_loop3A_54] {strides = array<i32>} : memref<32x1024xf32, #tpu.memory_space<vmem>>, vector<1x16xf32>,
      %parallel_loop3A_56 = vector.shape_cast %parallel_loop3A_55 : vector<1x16xf32> to vector<16xf32>
      %parallel_loop3A_57 = arith.constant 1 : i32
      %parallel_loop3A_58 = arith.index_cast %parallel_loop3A_57 : i32 to index
      %parallel_loop3A_59 = arith.index_cast %parallel_loop3A_51 : i32 to index
      %parallel_loop3A_60 = tpu.vector_load %arg4[%parallel_loop3A_58, %parallel_loop3A_59] {strides = array<i32>} : memref<32x1024xf32, #tpu.memory_space<vmem>>, vector<1x16xf32>,
      %parallel_loop3A_61 = vector.shape_cast %parallel_loop3A_60 : vector<1x16xf32> to vector<16xf32>
      %parallel_loop3A_62 = arith.constant 2 : i32
      %parallel_loop3A_63 = arith.index_cast %parallel_loop3A_62 : i32 to index
      %parallel_loop3A_64 = arith.index_cast %parallel_loop3A_51 : i32 to index
      %parallel_loop3A_65 = tpu.vector_load %arg4[%parallel_loop3A_63, %parallel_loop3A_64] {strides = array<i32>} : memref<32x1024xf32, #tpu.memory_space<vmem>>, vector<1x16xf32>,
      %parallel_loop3A_66 = vector.shape_cast %parallel_loop3A_65 : vector<1x16xf32> to vector<16xf32>
      %parallel_loop3A_67 = arith.constant 3 : i32
      %parallel_loop3A_68 = arith.index_cast %parallel_loop3A_67 : i32 to index
      %parallel_loop3A_69 = arith.index_cast %parallel_loop3A_51 : i32 to index
      %parallel_loop3A_70 = tpu.vector_load %arg4[%parallel_loop3A_68, %parallel_loop3A_69] {strides = array<i32>} : memref<32x1024xf32, #tpu.memory_space<vmem>>, vector<1x16xf32>,
      %parallel_loop3A_71 = vector.shape_cast %parallel_loop3A_70 : vector<1x16xf32> to vector<16xf32>
      %parallel_loop3A_72 = arith.addf %parallel_loop3A_56, %parallel_loop3A_61 : vector<16xf32>
      %parallel_loop3A_73 = arith.addf %parallel_loop3A_66, %parallel_loop3A_71 : vector<16xf32>
      %parallel_loop3A_74 = arith.addf %parallel_loop3A_72, %parallel_loop3A_73 : vector<16xf32>
      %parallel_loop3A_75 = arith.constant 2.500000e-01 : f32
      %parallel_loop3A_76 = vector.broadcast %parallel_loop3A_75 : f32 to vector<16xf32>
      %parallel_loop3A_77 = arith.mulf %parallel_loop3A_74, %parallel_loop3A_76 : vector<16xf32>
      %parallel_loop3A_78 = arith.constant 0 : i32
      %parallel_loop3A_79 = arith.index_cast %parallel_loop3A_78 : i32 to index
      %parallel_loop3A_80 = arith.index_cast %parallel_loop3A_51 : i32 to index
      %parallel_loop3A_81 = tpu.vector_load %arg6[%parallel_loop3A_79, %parallel_loop3A_80] {strides = array<i32>} : memref<8x1024xf32, #tpu.memory_space<vmem>>, vector<1x16xf32>,
      %parallel_loop3A_82 = vector.shape_cast %parallel_loop3A_81 : vector<1x16xf32> to vector<16xf32>
      %parallel_loop3A_83 = vector.shape_cast %parallel_loop3A_77 : vector<16xf32> to vector<1x16xf32>
      tpu.vector_store %arg6[%parallel_loop3A_79, %parallel_loop3A_80], %parallel_loop3A_83 {strides = array<i32>} : memref<8x1024xf32, #tpu.memory_space<vmem>>, vector<1x16xf32>,
      %parallel_loop3A_84 = arith.constant 4 : i32
      %parallel_loop3A_85 = arith.index_cast %parallel_loop3A_84 : i32 to index
      %parallel_loop3A_86 = arith.index_cast %parallel_loop3A_51 : i32 to index
      %parallel_loop3A_87 = tpu.vector_load %arg4[%parallel_loop3A_85, %parallel_loop3A_86] {strides = array<i32>} : memref<32x1024xf32, #tpu.memory_space<vmem>>, vector<1x16xf32>,
      %parallel_loop3A_88 = vector.shape_cast %parallel_loop3A_87 : vector<1x16xf32> to vector<16xf32>
      %parallel_loop3A_89 = arith.constant 5 : i32
      %parallel_loop3A_90 = arith.index_cast %parallel_loop3A_89 : i32 to index
      %parallel_loop3A_91 = arith.index_cast %parallel_loop3A_51 : i32 to index
      %parallel_loop3A_92 = tpu.vector_load %arg4[%parallel_loop3A_90, %parallel_loop3A_91] {strides = array<i32>} : memref<32x1024xf32, #tpu.memory_space<vmem>>, vector<1x16xf32>,
      %parallel_loop3A_93 = vector.shape_cast %parallel_loop3A_92 : vector<1x16xf32> to vector<16xf32>
      %parallel_loop3A_94 = arith.constant 6 : i32
      %parallel_loop3A_95 = arith.index_cast %parallel_loop3A_94 : i32 to index
      %parallel_loop3A_96 = arith.index_cast %parallel_loop3A_51 : i32 to index
      %parallel_loop3A_97 = tpu.vector_load %arg4[%parallel_loop3A_95, %parallel_loop3A_96] {strides = array<i32>} : memref<32x1024xf32, #tpu.memory_space<vmem>>, vector<1x16xf32>,
      %parallel_loop3A_98 = vector.shape_cast %parallel_loop3A_97 : vector<1x16xf32> to vector<16xf32>
      %parallel_loop3A_99 = arith.constant 7 : i32
      %parallel_loop3A_100 = arith.index_cast %parallel_loop3A_99 : i32 to index
      %parallel_loop3A_101 = arith.index_cast %parallel_loop3A_51 : i32 to index
      %parallel_loop3A_102 = tpu.vector_load %arg4[%parallel_loop3A_100, %parallel_loop3A_101] {strides = array<i32>} : memref<32x1024xf32, #tpu.memory_space<vmem>>, vector<1x16xf32>,
      %parallel_loop3A_103 = vector.shape_cast %parallel_loop3A_102 : vector<1x16xf32> to vector<16xf32>
      %parallel_loop3A_104 = arith.addf %parallel_loop3A_88, %parallel_loop3A_93 : vector<16xf32>
      %parallel_loop3A_105 = arith.addf %parallel_loop3A_98, %parallel_loop3A_103 : vector<16xf32>
      %parallel_loop3A_106 = arith.addf %parallel_loop3A_104, %parallel_loop3A_105 : vector<16xf32>
      %parallel_loop3A_107 = arith.constant 2.500000e-01 : f32
      %parallel_loop3A_108 = vector.broadcast %parallel_loop3A_107 : f32 to vector<16xf32>
      %parallel_loop3A_109 = arith.mulf %parallel_loop3A_106, %parallel_loop3A_108 : vector<16xf32>
      %parallel_loop3A_110 = arith.constant 1 : i32
      %parallel_loop3A_111 = arith.index_cast %parallel_loop3A_110 : i32 to index
      %parallel_loop3A_112 = arith.index_cast %parallel_loop3A_51 : i32 to index
      %parallel_loop3A_113 = tpu.vector_load %arg6[%parallel_loop3A_111, %parallel_loop3A_112] {strides = array<i32>} : memref<8x1024xf32, #tpu.memory_space<vmem>>, vector<1x16xf32>,
      %parallel_loop3A_114 = vector.shape_cast %parallel_loop3A_113 : vector<1x16xf32> to vector<16xf32>
      %parallel_loop3A_115 = vector.shape_cast %parallel_loop3A_109 : vector<16xf32> to vector<1x16xf32>
      tpu.vector_store %arg6[%parallel_loop3A_111, %parallel_loop3A_112], %parallel_loop3A_115 {strides = array<i32>} : memref<8x1024xf32, #tpu.memory_space<vmem>>, vector<1x16xf32>,
      %parallel_loop3A_116 = arith.constant 8 : i32
      %parallel_loop3A_117 = arith.index_cast %parallel_loop3A_116 : i32 to index
      %parallel_loop3A_118 = arith.index_cast %parallel_loop3A_51 : i32 to index
      %parallel_loop3A_119 = tpu.vector_load %arg4[%parallel_loop3A_117, %parallel_loop3A_118] {strides = array<i32>} : memref<32x1024xf32, #tpu.memory_space<vmem>>, vector<1x16xf32>,
      %parallel_loop3A_120 = vector.shape_cast %parallel_loop3A_119 : vector<1x16xf32> to vector<16xf32>
      %parallel_loop3A_121 = arith.constant 9 : i32
      %parallel_loop3A_122 = arith.index_cast %parallel_loop3A_121 : i32 to index
      %parallel_loop3A_123 = arith.index_cast %parallel_loop3A_51 : i32 to index
      %parallel_loop3A_124 = tpu.vector_load %arg4[%parallel_loop3A_122, %parallel_loop3A_123] {strides = array<i32>} : memref<32x1024xf32, #tpu.memory_space<vmem>>, vector<1x16xf32>,
      %parallel_loop3A_125 = vector.shape_cast %parallel_loop3A_124 : vector<1x16xf32> to vector<16xf32>
      %parallel_loop3A_126 = arith.constant 10 : i32
      %parallel_loop3A_127 = arith.index_cast %parallel_loop3A_126 : i32 to index
      %parallel_loop3A_128 = arith.index_cast %parallel_loop3A_51 : i32 to index
      %parallel_loop3A_129 = tpu.vector_load %arg4[%parallel_loop3A_127, %parallel_loop3A_128] {strides = array<i32>} : memref<32x1024xf32, #tpu.memory_space<vmem>>, vector<1x16xf32>,
      %parallel_loop3A_130 = vector.shape_cast %parallel_loop3A_129 : vector<1x16xf32> to vector<16xf32>
      %parallel_loop3A_131 = arith.constant 11 : i32
      %parallel_loop3A_132 = arith.index_cast %parallel_loop3A_131 : i32 to index
      %parallel_loop3A_133 = arith.index_cast %parallel_loop3A_51 : i32 to index
      %parallel_loop3A_134 = tpu.vector_load %arg4[%parallel_loop3A_132, %parallel_loop3A_133] {strides = array<i32>} : memref<32x1024xf32, #tpu.memory_space<vmem>>, vector<1x16xf32>,
      %parallel_loop3A_135 = vector.shape_cast %parallel_loop3A_134 : vector<1x16xf32> to vector<16xf32>
      %parallel_loop3A_136 = arith.addf %parallel_loop3A_120, %parallel_loop3A_125 : vector<16xf32>
      %parallel_loop3A_137 = arith.addf %parallel_loop3A_130, %parallel_loop3A_135 : vector<16xf32>
      %parallel_loop3A_138 = arith.addf %parallel_loop3A_136, %parallel_loop3A_137 : vector<16xf32>
      %parallel_loop3A_139 = arith.constant 2.500000e-01 : f32
      %parallel_loop3A_140 = vector.broadcast %parallel_loop3A_139 : f32 to vector<16xf32>
      %parallel_loop3A_141 = arith.mulf %parallel_loop3A_138, %parallel_loop3A_140 : vector<16xf32>
      %parallel_loop3A_142 = arith.constant 2 : i32
      %parallel_loop3A_143 = arith.index_cast %parallel_loop3A_142 : i32 to index
      %parallel_loop3A_144 = arith.index_cast %parallel_loop3A_51 : i32 to index
      %parallel_loop3A_145 = tpu.vector_load %arg6[%parallel_loop3A_143, %parallel_loop3A_144] {strides = array<i32>} : memref<8x1024xf32, #tpu.memory_space<vmem>>, vector<1x16xf32>,
      %parallel_loop3A_146 = vector.shape_cast %parallel_loop3A_145 : vector<1x16xf32> to vector<16xf32>
      %parallel_loop3A_147 = vector.shape_cast %parallel_loop3A_141 : vector<16xf32> to vector<1x16xf32>
      tpu.vector_store %arg6[%parallel_loop3A_143, %parallel_loop3A_144], %parallel_loop3A_147 {strides = array<i32>} : memref<8x1024xf32, #tpu.memory_space<vmem>>, vector<1x16xf32>,
      %parallel_loop3A_148 = arith.constant 12 : i32
      %parallel_loop3A_149 = arith.index_cast %parallel_loop3A_148 : i32 to index
      %parallel_loop3A_150 = arith.index_cast %parallel_loop3A_51 : i32 to index
      %parallel_loop3A_151 = tpu.vector_load %arg4[%parallel_loop3A_149, %parallel_loop3A_150] {strides = array<i32>} : memref<32x1024xf32, #tpu.memory_space<vmem>>, vector<1x16xf32>,
      %parallel_loop3A_152 = vector.shape_cast %parallel_loop3A_151 : vector<1x16xf32> to vector<16xf32>
      %parallel_loop3A_153 = arith.constant 13 : i32
      %parallel_loop3A_154 = arith.index_cast %parallel_loop3A_153 : i32 to index
      %parallel_loop3A_155 = arith.index_cast %parallel_loop3A_51 : i32 to index
      %parallel_loop3A_156 = tpu.vector_load %arg4[%parallel_loop3A_154, %parallel_loop3A_155] {strides = array<i32>} : memref<32x1024xf32, #tpu.memory_space<vmem>>, vector<1x16xf32>,
      %parallel_loop3A_157 = vector.shape_cast %parallel_loop3A_156 : vector<1x16xf32> to vector<16xf32>
      %parallel_loop3A_158 = arith.constant 14 : i32
      %parallel_loop3A_159 = arith.index_cast %parallel_loop3A_158 : i32 to index
      %parallel_loop3A_160 = arith.index_cast %parallel_loop3A_51 : i32 to index
      %parallel_loop3A_161 = tpu.vector_load %arg4[%parallel_loop3A_159, %parallel_loop3A_160] {strides = array<i32>} : memref<32x1024xf32, #tpu.memory_space<vmem>>, vector<1x16xf32>,
      %parallel_loop3A_162 = vector.shape_cast %parallel_loop3A_161 : vector<1x16xf32> to vector<16xf32>
      %parallel_loop3A_163 = arith.constant 15 : i32
      %parallel_loop3A_164 = arith.index_cast %parallel_loop3A_163 : i32 to index
      %parallel_loop3A_165 = arith.index_cast %parallel_loop3A_51 : i32 to index
      %parallel_loop3A_166 = tpu.vector_load %arg4[%parallel_loop3A_164, %parallel_loop3A_165] {strides = array<i32>} : memref<32x1024xf32, #tpu.memory_space<vmem>>, vector<1x16xf32>,
      %parallel_loop3A_167 = vector.shape_cast %parallel_loop3A_166 : vector<1x16xf32> to vector<16xf32>
      %parallel_loop3A_168 = arith.addf %parallel_loop3A_152, %parallel_loop3A_157 : vector<16xf32>
      %parallel_loop3A_169 = arith.addf %parallel_loop3A_162, %parallel_loop3A_167 : vector<16xf32>
      %parallel_loop3A_170 = arith.addf %parallel_loop3A_168, %parallel_loop3A_169 : vector<16xf32>
      %parallel_loop3A_171 = arith.constant 2.500000e-01 : f32
      %parallel_loop3A_172 = vector.broadcast %parallel_loop3A_171 : f32 to vector<16xf32>
      %parallel_loop3A_173 = arith.mulf %parallel_loop3A_170, %parallel_loop3A_172 : vector<16xf32>
      %parallel_loop3A_174 = arith.constant 3 : i32
      %parallel_loop3A_175 = arith.index_cast %parallel_loop3A_174 : i32 to index
      %parallel_loop3A_176 = arith.index_cast %parallel_loop3A_51 : i32 to index
      %parallel_loop3A_177 = tpu.vector_load %arg6[%parallel_loop3A_175, %parallel_loop3A_176] {strides = array<i32>} : memref<8x1024xf32, #tpu.memory_space<vmem>>, vector<1x16xf32>,
      %parallel_loop3A_178 = vector.shape_cast %parallel_loop3A_177 : vector<1x16xf32> to vector<16xf32>
      %parallel_loop3A_179 = vector.shape_cast %parallel_loop3A_173 : vector<16xf32> to vector<1x16xf32>
      tpu.vector_store %arg6[%parallel_loop3A_175, %parallel_loop3A_176], %parallel_loop3A_179 {strides = array<i32>} : memref<8x1024xf32, #tpu.memory_space<vmem>>, vector<1x16xf32>,
      %parallel_loop3A_180 = arith.constant 16 : i32
      %parallel_loop3A_181 = arith.index_cast %parallel_loop3A_180 : i32 to index
      %parallel_loop3A_182 = arith.index_cast %parallel_loop3A_51 : i32 to index
      %parallel_loop3A_183 = tpu.vector_load %arg4[%parallel_loop3A_181, %parallel_loop3A_182] {strides = array<i32>} : memref<32x1024xf32, #tpu.memory_space<vmem>>, vector<1x16xf32>,
      %parallel_loop3A_184 = vector.shape_cast %parallel_loop3A_183 : vector<1x16xf32> to vector<16xf32>
      %parallel_loop3A_185 = arith.constant 17 : i32
      %parallel_loop3A_186 = arith.index_cast %parallel_loop3A_185 : i32 to index
      %parallel_loop3A_187 = arith.index_cast %parallel_loop3A_51 : i32 to index
      %parallel_loop3A_188 = tpu.vector_load %arg4[%parallel_loop3A_186, %parallel_loop3A_187] {strides = array<i32>} : memref<32x1024xf32, #tpu.memory_space<vmem>>, vector<1x16xf32>,
      %parallel_loop3A_189 = vector.shape_cast %parallel_loop3A_188 : vector<1x16xf32> to vector<16xf32>
      %parallel_loop3A_190 = arith.constant 18 : i32
      %parallel_loop3A_191 = arith.index_cast %parallel_loop3A_190 : i32 to index
      %parallel_loop3A_192 = arith.index_cast %parallel_loop3A_51 : i32 to index
      %parallel_loop3A_193 = tpu.vector_load %arg4[%parallel_loop3A_191, %parallel_loop3A_192] {strides = array<i32>} : memref<32x1024xf32, #tpu.memory_space<vmem>>, vector<1x16xf32>,
      %parallel_loop3A_194 = vector.shape_cast %parallel_loop3A_193 : vector<1x16xf32> to vector<16xf32>
      %parallel_loop3A_195 = arith.constant 19 : i32
      %parallel_loop3A_196 = arith.index_cast %parallel_loop3A_195 : i32 to index
      %parallel_loop3A_197 = arith.index_cast %parallel_loop3A_51 : i32 to index
      %parallel_loop3A_198 = tpu.vector_load %arg4[%parallel_loop3A_196, %parallel_loop3A_197] {strides = array<i32>} : memref<32x1024xf32, #tpu.memory_space<vmem>>, vector<1x16xf32>,
      %parallel_loop3A_199 = vector.shape_cast %parallel_loop3A_198 : vector<1x16xf32> to vector<16xf32>
      %parallel_loop3A_200 = arith.addf %parallel_loop3A_184, %parallel_loop3A_189 : vector<16xf32>
      %parallel_loop3A_201 = arith.addf %parallel_loop3A_194, %parallel_loop3A_199 : vector<16xf32>
      %parallel_loop3A_202 = arith.addf %parallel_loop3A_200, %parallel_loop3A_201 : vector<16xf32>
      %parallel_loop3A_203 = arith.constant 2.500000e-01 : f32
      %parallel_loop3A_204 = vector.broadcast %parallel_loop3A_203 : f32 to vector<16xf32>
      %parallel_loop3A_205 = arith.mulf %parallel_loop3A_202, %parallel_loop3A_204 : vector<16xf32>
      %parallel_loop3A_206 = arith.constant 4 : i32
      %parallel_loop3A_207 = arith.index_cast %parallel_loop3A_206 : i32 to index
      %parallel_loop3A_208 = arith.index_cast %parallel_loop3A_51 : i32 to index
      %parallel_loop3A_209 = tpu.vector_load %arg6[%parallel_loop3A_207, %parallel_loop3A_208] {strides = array<i32>} : memref<8x1024xf32, #tpu.memory_space<vmem>>, vector<1x16xf32>,
      %parallel_loop3A_210 = vector.shape_cast %parallel_loop3A_209 : vector<1x16xf32> to vector<16xf32>
      %parallel_loop3A_211 = vector.shape_cast %parallel_loop3A_205 : vector<16xf32> to vector<1x16xf32>
      tpu.vector_store %arg6[%parallel_loop3A_207, %parallel_loop3A_208], %parallel_loop3A_211 {strides = array<i32>} : memref<8x1024xf32, #tpu.memory_space<vmem>>, vector<1x16xf32>,
      %parallel_loop3A_212 = arith.constant 20 : i32
      %parallel_loop3A_213 = arith.index_cast %parallel_loop3A_212 : i32 to index
      %parallel_loop3A_214 = arith.index_cast %parallel_loop3A_51 : i32 to index
      %parallel_loop3A_215 = tpu.vector_load %arg4[%parallel_loop3A_213, %parallel_loop3A_214] {strides = array<i32>} : memref<32x1024xf32, #tpu.memory_space<vmem>>, vector<1x16xf32>,
      %parallel_loop3A_216 = vector.shape_cast %parallel_loop3A_215 : vector<1x16xf32> to vector<16xf32>
      %parallel_loop3A_217 = arith.constant 21 : i32
      %parallel_loop3A_218 = arith.index_cast %parallel_loop3A_217 : i32 to index
      %parallel_loop3A_219 = arith.index_cast %parallel_loop3A_51 : i32 to index
      %parallel_loop3A_220 = tpu.vector_load %arg4[%parallel_loop3A_218, %parallel_loop3A_219] {strides = array<i32>} : memref<32x1024xf32, #tpu.memory_space<vmem>>, vector<1x16xf32>,
      %parallel_loop3A_221 = vector.shape_cast %parallel_loop3A_220 : vector<1x16xf32> to vector<16xf32>
      %parallel_loop3A_222 = arith.constant 22 : i32
      %parallel_loop3A_223 = arith.index_cast %parallel_loop3A_222 : i32 to index
      %parallel_loop3A_224 = arith.index_cast %parallel_loop3A_51 : i32 to index
      %parallel_loop3A_225 = tpu.vector_load %arg4[%parallel_loop3A_223, %parallel_loop3A_224] {strides = array<i32>} : memref<32x1024xf32, #tpu.memory_space<vmem>>, vector<1x16xf32>,
      %parallel_loop3A_226 = vector.shape_cast %parallel_loop3A_225 : vector<1x16xf32> to vector<16xf32>
      %parallel_loop3A_227 = arith.constant 23 : i32
      %parallel_loop3A_228 = arith.index_cast %parallel_loop3A_227 : i32 to index
      %parallel_loop3A_229 = arith.index_cast %parallel_loop3A_51 : i32 to index
      %parallel_loop3A_230 = tpu.vector_load %arg4[%parallel_loop3A_228, %parallel_loop3A_229] {strides = array<i32>} : memref<32x1024xf32, #tpu.memory_space<vmem>>, vector<1x16xf32>,
      %parallel_loop3A_231 = vector.shape_cast %parallel_loop3A_230 : vector<1x16xf32> to vector<16xf32>
      %parallel_loop3A_232 = arith.addf %parallel_loop3A_216, %parallel_loop3A_221 : vector<16xf32>
      %parallel_loop3A_233 = arith.addf %parallel_loop3A_226, %parallel_loop3A_231 : vector<16xf32>
      %parallel_loop3A_234 = arith.addf %parallel_loop3A_232, %parallel_loop3A_233 : vector<16xf32>
      %parallel_loop3A_235 = arith.constant 2.500000e-01 : f32
      %parallel_loop3A_236 = vector.broadcast %parallel_loop3A_235 : f32 to vector<16xf32>
      %parallel_loop3A_237 = arith.mulf %parallel_loop3A_234, %parallel_loop3A_236 : vector<16xf32>
      %parallel_loop3A_238 = arith.constant 5 : i32
      %parallel_loop3A_239 = arith.index_cast %parallel_loop3A_238 : i32 to index
      %parallel_loop3A_240 = arith.index_cast %parallel_loop3A_51 : i32 to index
      %parallel_loop3A_241 = tpu.vector_load %arg6[%parallel_loop3A_239, %parallel_loop3A_240] {strides = array<i32>} : memref<8x1024xf32, #tpu.memory_space<vmem>>, vector<1x16xf32>,
      %parallel_loop3A_242 = vector.shape_cast %parallel_loop3A_241 : vector<1x16xf32> to vector<16xf32>
      %parallel_loop3A_243 = vector.shape_cast %parallel_loop3A_237 : vector<16xf32> to vector<1x16xf32>
      tpu.vector_store %arg6[%parallel_loop3A_239, %parallel_loop3A_240], %parallel_loop3A_243 {strides = array<i32>} : memref<8x1024xf32, #tpu.memory_space<vmem>>, vector<1x16xf32>,
      %parallel_loop3A_244 = arith.constant 24 : i32
      %parallel_loop3A_245 = arith.index_cast %parallel_loop3A_244 : i32 to index
      %parallel_loop3A_246 = arith.index_cast %parallel_loop3A_51 : i32 to index
      %parallel_loop3A_247 = tpu.vector_load %arg4[%parallel_loop3A_245, %parallel_loop3A_246] {strides = array<i32>} : memref<32x1024xf32, #tpu.memory_space<vmem>>, vector<1x16xf32>,
      %parallel_loop3A_248 = vector.shape_cast %parallel_loop3A_247 : vector<1x16xf32> to vector<16xf32>
      %parallel_loop3A_249 = arith.constant 25 : i32
      %parallel_loop3A_250 = arith.index_cast %parallel_loop3A_249 : i32 to index
      %parallel_loop3A_251 = arith.index_cast %parallel_loop3A_51 : i32 to index
      %parallel_loop3A_252 = tpu.vector_load %arg4[%parallel_loop3A_250, %parallel_loop3A_251] {strides = array<i32>} : memref<32x1024xf32, #tpu.memory_space<vmem>>, vector<1x16xf32>,
      %parallel_loop3A_253 = vector.shape_cast %parallel_loop3A_252 : vector<1x16xf32> to vector<16xf32>
      %parallel_loop3A_254 = arith.constant 26 : i32
      %parallel_loop3A_255 = arith.index_cast %parallel_loop3A_254 : i32 to index
      %parallel_loop3A_256 = arith.index_cast %parallel_loop3A_51 : i32 to index
      %parallel_loop3A_257 = tpu.vector_load %arg4[%parallel_loop3A_255, %parallel_loop3A_256] {strides = array<i32>} : memref<32x1024xf32, #tpu.memory_space<vmem>>, vector<1x16xf32>,
      %parallel_loop3A_258 = vector.shape_cast %parallel_loop3A_257 : vector<1x16xf32> to vector<16xf32>
      %parallel_loop3A_259 = arith.constant 27 : i32
      %parallel_loop3A_260 = arith.index_cast %parallel_loop3A_259 : i32 to index
      %parallel_loop3A_261 = arith.index_cast %parallel_loop3A_51 : i32 to index
      %parallel_loop3A_262 = tpu.vector_load %arg4[%parallel_loop3A_260, %parallel_loop3A_261] {strides = array<i32>} : memref<32x1024xf32, #tpu.memory_space<vmem>>, vector<1x16xf32>,
      %parallel_loop3A_263 = vector.shape_cast %parallel_loop3A_262 : vector<1x16xf32> to vector<16xf32>
      %parallel_loop3A_264 = arith.addf %parallel_loop3A_248, %parallel_loop3A_253 : vector<16xf32>
      %parallel_loop3A_265 = arith.addf %parallel_loop3A_258, %parallel_loop3A_263 : vector<16xf32>
      %parallel_loop3A_266 = arith.addf %parallel_loop3A_264, %parallel_loop3A_265 : vector<16xf32>
      %parallel_loop3A_267 = arith.constant 2.500000e-01 : f32
      %parallel_loop3A_268 = vector.broadcast %parallel_loop3A_267 : f32 to vector<16xf32>
      %parallel_loop3A_269 = arith.mulf %parallel_loop3A_266, %parallel_loop3A_268 : vector<16xf32>
      %parallel_loop3A_270 = arith.constant 6 : i32
      %parallel_loop3A_271 = arith.index_cast %parallel_loop3A_270 : i32 to index
      %parallel_loop3A_272 = arith.index_cast %parallel_loop3A_51 : i32 to index
      %parallel_loop3A_273 = tpu.vector_load %arg6[%parallel_loop3A_271, %parallel_loop3A_272] {strides = array<i32>} : memref<8x1024xf32, #tpu.memory_space<vmem>>, vector<1x16xf32>,
      %parallel_loop3A_274 = vector.shape_cast %parallel_loop3A_273 : vector<1x16xf32> to vector<16xf32>
      %parallel_loop3A_275 = vector.shape_cast %parallel_loop3A_269 : vector<16xf32> to vector<1x16xf32>
      tpu.vector_store %arg6[%parallel_loop3A_271, %parallel_loop3A_272], %parallel_loop3A_275 {strides = array<i32>} : memref<8x1024xf32, #tpu.memory_space<vmem>>, vector<1x16xf32>,
      %parallel_loop3A_276 = arith.constant 28 : i32
      %parallel_loop3A_277 = arith.index_cast %parallel_loop3A_276 : i32 to index
      %parallel_loop3A_278 = arith.index_cast %parallel_loop3A_51 : i32 to index
      %parallel_loop3A_279 = tpu.vector_load %arg4[%parallel_loop3A_277, %parallel_loop3A_278] {strides = array<i32>} : memref<32x1024xf32, #tpu.memory_space<vmem>>, vector<1x16xf32>,
      %parallel_loop3A_280 = vector.shape_cast %parallel_loop3A_279 : vector<1x16xf32> to vector<16xf32>
      %parallel_loop3A_281 = arith.constant 29 : i32
      %parallel_loop3A_282 = arith.index_cast %parallel_loop3A_281 : i32 to index
      %parallel_loop3A_283 = arith.index_cast %parallel_loop3A_51 : i32 to index
      %parallel_loop3A_284 = tpu.vector_load %arg4[%parallel_loop3A_282, %parallel_loop3A_283] {strides = array<i32>} : memref<32x1024xf32, #tpu.memory_space<vmem>>, vector<1x16xf32>,
      %parallel_loop3A_285 = vector.shape_cast %parallel_loop3A_284 : vector<1x16xf32> to vector<16xf32>
      %parallel_loop3A_286 = arith.constant 30 : i32
      %parallel_loop3A_287 = arith.index_cast %parallel_loop3A_286 : i32 to index
      %parallel_loop3A_288 = arith.index_cast %parallel_loop3A_51 : i32 to index
      %parallel_loop3A_289 = tpu.vector_load %arg4[%parallel_loop3A_287, %parallel_loop3A_288] {strides = array<i32>} : memref<32x1024xf32, #tpu.memory_space<vmem>>, vector<1x16xf32>,
      %parallel_loop3A_290 = vector.shape_cast %parallel_loop3A_289 : vector<1x16xf32> to vector<16xf32>
      %parallel_loop3A_291 = arith.constant 31 : i32
      %parallel_loop3A_292 = arith.index_cast %parallel_loop3A_291 : i32 to index
      %parallel_loop3A_293 = arith.index_cast %parallel_loop3A_51 : i32 to index
      %parallel_loop3A_294 = tpu.vector_load %arg4[%parallel_loop3A_292, %parallel_loop3A_293] {strides = array<i32>} : memref<32x1024xf32, #tpu.memory_space<vmem>>, vector<1x16xf32>,
      %parallel_loop3A_295 = vector.shape_cast %parallel_loop3A_294 : vector<1x16xf32> to vector<16xf32>
      %parallel_loop3A_296 = arith.addf %parallel_loop3A_280, %parallel_loop3A_285 : vector<16xf32>
      %parallel_loop3A_297 = arith.addf %parallel_loop3A_290, %parallel_loop3A_295 : vector<16xf32>
      %parallel_loop3A_298 = arith.addf %parallel_loop3A_296, %parallel_loop3A_297 : vector<16xf32>
      %parallel_loop3A_299 = arith.constant 2.500000e-01 : f32
      %parallel_loop3A_300 = vector.broadcast %parallel_loop3A_299 : f32 to vector<16xf32>
      %parallel_loop3A_301 = arith.mulf %parallel_loop3A_298, %parallel_loop3A_300 : vector<16xf32>
      %parallel_loop3A_302 = arith.constant 7 : i32
      %parallel_loop3A_303 = arith.index_cast %parallel_loop3A_302 : i32 to index
      %parallel_loop3A_304 = arith.index_cast %parallel_loop3A_51 : i32 to index
      %parallel_loop3A_305 = tpu.vector_load %arg6[%parallel_loop3A_303, %parallel_loop3A_304] {strides = array<i32>} : memref<8x1024xf32, #tpu.memory_space<vmem>>, vector<1x16xf32>,
      %parallel_loop3A_306 = vector.shape_cast %parallel_loop3A_305 : vector<1x16xf32> to vector<16xf32>
      %parallel_loop3A_307 = vector.shape_cast %parallel_loop3A_301 : vector<16xf32> to vector<1x16xf32>
      tpu.vector_store %arg6[%parallel_loop3A_303, %parallel_loop3A_304], %parallel_loop3A_307 {strides = array<i32>} : memref<8x1024xf32, #tpu.memory_space<vmem>>, vector<1x16xf32>,
    } {sc.loop_unroll_factor = 4 : i64, sc.parallel_access}
    %add3A_21 = arith.constant 0 : i32
    %add3A_22 = arith.addi %mul3A_2, %add3A_21 : i32
    %dma_start3A_23 = arith.constant 0 : i32
    %dma_start3A_24 = tpu.memref_slice %arg3[%add3A_22, %dma_start3A_23] : memref<512x1024xf32, #tpu.memory_space<hbm>> -> memref<8x1024xf32, #tpu.memory_space<hbm>>
    %dma_start3A_25 = arith.constant 0 : i32
    %dma_start3A_26 = tpu.memref_slice %arg3[%add3A_22, %dma_start3A_25] : memref<512x1024xf32, #tpu.memory_space<hbm>> -> memref<8x1024xf32, #tpu.memory_space<hbm>>
    tpu.enqueue_dma source(%arg6 : memref<8x1024xf32, #tpu.memory_space<vmem>>) target(%dma_start3A_26 : memref<8x1024xf32, #tpu.memory_space<hbm>>) target_semaphore(%arg10 : memref<!tpu.dma_semaphore, #tpu.memory_space<semaphore_mem>>)
    %dma_wait3A_27 = arith.constant 0 : i32
    %dma_wait3A_28 = tpu.memref_slice %arg2[%add3A_11, %dma_wait3A_27] : memref<8192x1024xf32, #tpu.memory_space<hbm>> -> memref<32x1024xf32, #tpu.memory_space<hbm>>
    %dma_wait3A_29 = arith.constant 0 : i32
    %dma_wait3A_30 = tpu.memref_slice %arg2[%add3A_11, %dma_wait3A_29] : memref<8192x1024xf32, #tpu.memory_space<hbm>> -> memref<32x1024xf32, #tpu.memory_space<hbm>>
    tpu.wait_dma2 semaphore(%arg9 : memref<!tpu.dma_semaphore, #tpu.memory_space<semaphore_mem>>) src(%dma_wait3A_30 : memref<32x1024xf32, #tpu.memory_space<hbm>>) dst(%arg5 : memref<32x1024xf32, #tpu.memory_space<vmem>>)
    %parallel_loop3A_31 = arith.constant 0 : i32
    %parallel_loop3A_32 = arith.constant 64 : i32
    %parallel_loop3A_33 = arith.constant 1 : i32
    scf.for %parallel_loop3A_48 = %parallel_loop3A_31 to %parallel_loop3A_32 step %parallel_loop3A_33  : i32 {
      %parallel_loop3A_49 = arith.constant 16 : i32
      %parallel_loop3A_50 = arith.muli %parallel_loop3A_48, %parallel_loop3A_49 : i32
      %parallel_loop3A_51 = tpu.assume_multiple %parallel_loop3A_50, 16 : i32
      %parallel_loop3A_52 = arith.constant 0 : i32
      %parallel_loop3A_53 = arith.index_cast %parallel_loop3A_52 : i32 to index
      %parallel_loop3A_54 = arith.index_cast %parallel_loop3A_51 : i32 to index
      %parallel_loop3A_55 = tpu.vector_load %arg5[%parallel_loop3A_53, %parallel_loop3A_54] {strides = array<i32>} : memref<32x1024xf32, #tpu.memory_space<vmem>>, vector<1x16xf32>,
      %parallel_loop3A_56 = vector.shape_cast %parallel_loop3A_55 : vector<1x16xf32> to vector<16xf32>
      %parallel_loop3A_57 = arith.constant 1 : i32
      %parallel_loop3A_58 = arith.index_cast %parallel_loop3A_57 : i32 to index
      %parallel_loop3A_59 = arith.index_cast %parallel_loop3A_51 : i32 to index
      %parallel_loop3A_60 = tpu.vector_load %arg5[%parallel_loop3A_58, %parallel_loop3A_59] {strides = array<i32>} : memref<32x1024xf32, #tpu.memory_space<vmem>>, vector<1x16xf32>,
      %parallel_loop3A_61 = vector.shape_cast %parallel_loop3A_60 : vector<1x16xf32> to vector<16xf32>
      %parallel_loop3A_62 = arith.constant 2 : i32
      %parallel_loop3A_63 = arith.index_cast %parallel_loop3A_62 : i32 to index
      %parallel_loop3A_64 = arith.index_cast %parallel_loop3A_51 : i32 to index
      %parallel_loop3A_65 = tpu.vector_load %arg5[%parallel_loop3A_63, %parallel_loop3A_64] {strides = array<i32>} : memref<32x1024xf32, #tpu.memory_space<vmem>>, vector<1x16xf32>,
      %parallel_loop3A_66 = vector.shape_cast %parallel_loop3A_65 : vector<1x16xf32> to vector<16xf32>
      %parallel_loop3A_67 = arith.constant 3 : i32
      %parallel_loop3A_68 = arith.index_cast %parallel_loop3A_67 : i32 to index
      %parallel_loop3A_69 = arith.index_cast %parallel_loop3A_51 : i32 to index
      %parallel_loop3A_70 = tpu.vector_load %arg5[%parallel_loop3A_68, %parallel_loop3A_69] {strides = array<i32>} : memref<32x1024xf32, #tpu.memory_space<vmem>>, vector<1x16xf32>,
      %parallel_loop3A_71 = vector.shape_cast %parallel_loop3A_70 : vector<1x16xf32> to vector<16xf32>
      %parallel_loop3A_72 = arith.addf %parallel_loop3A_56, %parallel_loop3A_61 : vector<16xf32>
      %parallel_loop3A_73 = arith.addf %parallel_loop3A_66, %parallel_loop3A_71 : vector<16xf32>
      %parallel_loop3A_74 = arith.addf %parallel_loop3A_72, %parallel_loop3A_73 : vector<16xf32>
      %parallel_loop3A_75 = arith.constant 2.500000e-01 : f32
      %parallel_loop3A_76 = vector.broadcast %parallel_loop3A_75 : f32 to vector<16xf32>
      %parallel_loop3A_77 = arith.mulf %parallel_loop3A_74, %parallel_loop3A_76 : vector<16xf32>
      %parallel_loop3A_78 = arith.constant 0 : i32
      %parallel_loop3A_79 = arith.index_cast %parallel_loop3A_78 : i32 to index
      %parallel_loop3A_80 = arith.index_cast %parallel_loop3A_51 : i32 to index
      %parallel_loop3A_81 = tpu.vector_load %arg7[%parallel_loop3A_79, %parallel_loop3A_80] {strides = array<i32>} : memref<8x1024xf32, #tpu.memory_space<vmem>>, vector<1x16xf32>,
      %parallel_loop3A_82 = vector.shape_cast %parallel_loop3A_81 : vector<1x16xf32> to vector<16xf32>
      %parallel_loop3A_83 = vector.shape_cast %parallel_loop3A_77 : vector<16xf32> to vector<1x16xf32>
      tpu.vector_store %arg7[%parallel_loop3A_79, %parallel_loop3A_80], %parallel_loop3A_83 {strides = array<i32>} : memref<8x1024xf32, #tpu.memory_space<vmem>>, vector<1x16xf32>,
      %parallel_loop3A_84 = arith.constant 4 : i32
      %parallel_loop3A_85 = arith.index_cast %parallel_loop3A_84 : i32 to index
      %parallel_loop3A_86 = arith.index_cast %parallel_loop3A_51 : i32 to index
      %parallel_loop3A_87 = tpu.vector_load %arg5[%parallel_loop3A_85, %parallel_loop3A_86] {strides = array<i32>} : memref<32x1024xf32, #tpu.memory_space<vmem>>, vector<1x16xf32>,
      %parallel_loop3A_88 = vector.shape_cast %parallel_loop3A_87 : vector<1x16xf32> to vector<16xf32>
      %parallel_loop3A_89 = arith.constant 5 : i32
      %parallel_loop3A_90 = arith.index_cast %parallel_loop3A_89 : i32 to index
      %parallel_loop3A_91 = arith.index_cast %parallel_loop3A_51 : i32 to index
      %parallel_loop3A_92 = tpu.vector_load %arg5[%parallel_loop3A_90, %parallel_loop3A_91] {strides = array<i32>} : memref<32x1024xf32, #tpu.memory_space<vmem>>, vector<1x16xf32>,
      %parallel_loop3A_93 = vector.shape_cast %parallel_loop3A_92 : vector<1x16xf32> to vector<16xf32>
      %parallel_loop3A_94 = arith.constant 6 : i32
      %parallel_loop3A_95 = arith.index_cast %parallel_loop3A_94 : i32 to index
      %parallel_loop3A_96 = arith.index_cast %parallel_loop3A_51 : i32 to index
      %parallel_loop3A_97 = tpu.vector_load %arg5[%parallel_loop3A_95, %parallel_loop3A_96] {strides = array<i32>} : memref<32x1024xf32, #tpu.memory_space<vmem>>, vector<1x16xf32>,
      %parallel_loop3A_98 = vector.shape_cast %parallel_loop3A_97 : vector<1x16xf32> to vector<16xf32>
      %parallel_loop3A_99 = arith.constant 7 : i32
      %parallel_loop3A_100 = arith.index_cast %parallel_loop3A_99 : i32 to index
      %parallel_loop3A_101 = arith.index_cast %parallel_loop3A_51 : i32 to index
      %parallel_loop3A_102 = tpu.vector_load %arg5[%parallel_loop3A_100, %parallel_loop3A_101] {strides = array<i32>} : memref<32x1024xf32, #tpu.memory_space<vmem>>, vector<1x16xf32>,
      %parallel_loop3A_103 = vector.shape_cast %parallel_loop3A_102 : vector<1x16xf32> to vector<16xf32>
      %parallel_loop3A_104 = arith.addf %parallel_loop3A_88, %parallel_loop3A_93 : vector<16xf32>
      %parallel_loop3A_105 = arith.addf %parallel_loop3A_98, %parallel_loop3A_103 : vector<16xf32>
      %parallel_loop3A_106 = arith.addf %parallel_loop3A_104, %parallel_loop3A_105 : vector<16xf32>
      %parallel_loop3A_107 = arith.constant 2.500000e-01 : f32
      %parallel_loop3A_108 = vector.broadcast %parallel_loop3A_107 : f32 to vector<16xf32>
      %parallel_loop3A_109 = arith.mulf %parallel_loop3A_106, %parallel_loop3A_108 : vector<16xf32>
      %parallel_loop3A_110 = arith.constant 1 : i32
      %parallel_loop3A_111 = arith.index_cast %parallel_loop3A_110 : i32 to index
      %parallel_loop3A_112 = arith.index_cast %parallel_loop3A_51 : i32 to index
      %parallel_loop3A_113 = tpu.vector_load %arg7[%parallel_loop3A_111, %parallel_loop3A_112] {strides = array<i32>} : memref<8x1024xf32, #tpu.memory_space<vmem>>, vector<1x16xf32>,
      %parallel_loop3A_114 = vector.shape_cast %parallel_loop3A_113 : vector<1x16xf32> to vector<16xf32>
      %parallel_loop3A_115 = vector.shape_cast %parallel_loop3A_109 : vector<16xf32> to vector<1x16xf32>
      tpu.vector_store %arg7[%parallel_loop3A_111, %parallel_loop3A_112], %parallel_loop3A_115 {strides = array<i32>} : memref<8x1024xf32, #tpu.memory_space<vmem>>, vector<1x16xf32>,
      %parallel_loop3A_116 = arith.constant 8 : i32
      %parallel_loop3A_117 = arith.index_cast %parallel_loop3A_116 : i32 to index
      %parallel_loop3A_118 = arith.index_cast %parallel_loop3A_51 : i32 to index
      %parallel_loop3A_119 = tpu.vector_load %arg5[%parallel_loop3A_117, %parallel_loop3A_118] {strides = array<i32>} : memref<32x1024xf32, #tpu.memory_space<vmem>>, vector<1x16xf32>,
      %parallel_loop3A_120 = vector.shape_cast %parallel_loop3A_119 : vector<1x16xf32> to vector<16xf32>
      %parallel_loop3A_121 = arith.constant 9 : i32
      %parallel_loop3A_122 = arith.index_cast %parallel_loop3A_121 : i32 to index
      %parallel_loop3A_123 = arith.index_cast %parallel_loop3A_51 : i32 to index
      %parallel_loop3A_124 = tpu.vector_load %arg5[%parallel_loop3A_122, %parallel_loop3A_123] {strides = array<i32>} : memref<32x1024xf32, #tpu.memory_space<vmem>>, vector<1x16xf32>,
      %parallel_loop3A_125 = vector.shape_cast %parallel_loop3A_124 : vector<1x16xf32> to vector<16xf32>
      %parallel_loop3A_126 = arith.constant 10 : i32
      %parallel_loop3A_127 = arith.index_cast %parallel_loop3A_126 : i32 to index
      %parallel_loop3A_128 = arith.index_cast %parallel_loop3A_51 : i32 to index
      %parallel_loop3A_129 = tpu.vector_load %arg5[%parallel_loop3A_127, %parallel_loop3A_128] {strides = array<i32>} : memref<32x1024xf32, #tpu.memory_space<vmem>>, vector<1x16xf32>,
      %parallel_loop3A_130 = vector.shape_cast %parallel_loop3A_129 : vector<1x16xf32> to vector<16xf32>
      %parallel_loop3A_131 = arith.constant 11 : i32
      %parallel_loop3A_132 = arith.index_cast %parallel_loop3A_131 : i32 to index
      %parallel_loop3A_133 = arith.index_cast %parallel_loop3A_51 : i32 to index
      %parallel_loop3A_134 = tpu.vector_load %arg5[%parallel_loop3A_132, %parallel_loop3A_133] {strides = array<i32>} : memref<32x1024xf32, #tpu.memory_space<vmem>>, vector<1x16xf32>,
      %parallel_loop3A_135 = vector.shape_cast %parallel_loop3A_134 : vector<1x16xf32> to vector<16xf32>
      %parallel_loop3A_136 = arith.addf %parallel_loop3A_120, %parallel_loop3A_125 : vector<16xf32>
      %parallel_loop3A_137 = arith.addf %parallel_loop3A_130, %parallel_loop3A_135 : vector<16xf32>
      %parallel_loop3A_138 = arith.addf %parallel_loop3A_136, %parallel_loop3A_137 : vector<16xf32>
      %parallel_loop3A_139 = arith.constant 2.500000e-01 : f32
      %parallel_loop3A_140 = vector.broadcast %parallel_loop3A_139 : f32 to vector<16xf32>
      %parallel_loop3A_141 = arith.mulf %parallel_loop3A_138, %parallel_loop3A_140 : vector<16xf32>
      %parallel_loop3A_142 = arith.constant 2 : i32
      %parallel_loop3A_143 = arith.index_cast %parallel_loop3A_142 : i32 to index
      %parallel_loop3A_144 = arith.index_cast %parallel_loop3A_51 : i32 to index
      %parallel_loop3A_145 = tpu.vector_load %arg7[%parallel_loop3A_143, %parallel_loop3A_144] {strides = array<i32>} : memref<8x1024xf32, #tpu.memory_space<vmem>>, vector<1x16xf32>,
      %parallel_loop3A_146 = vector.shape_cast %parallel_loop3A_145 : vector<1x16xf32> to vector<16xf32>
      %parallel_loop3A_147 = vector.shape_cast %parallel_loop3A_141 : vector<16xf32> to vector<1x16xf32>
      tpu.vector_store %arg7[%parallel_loop3A_143, %parallel_loop3A_144], %parallel_loop3A_147 {strides = array<i32>} : memref<8x1024xf32, #tpu.memory_space<vmem>>, vector<1x16xf32>,
      %parallel_loop3A_148 = arith.constant 12 : i32
      %parallel_loop3A_149 = arith.index_cast %parallel_loop3A_148 : i32 to index
      %parallel_loop3A_150 = arith.index_cast %parallel_loop3A_51 : i32 to index
      %parallel_loop3A_151 = tpu.vector_load %arg5[%parallel_loop3A_149, %parallel_loop3A_150] {strides = array<i32>} : memref<32x1024xf32, #tpu.memory_space<vmem>>, vector<1x16xf32>,
      %parallel_loop3A_152 = vector.shape_cast %parallel_loop3A_151 : vector<1x16xf32> to vector<16xf32>
      %parallel_loop3A_153 = arith.constant 13 : i32
      %parallel_loop3A_154 = arith.index_cast %parallel_loop3A_153 : i32 to index
      %parallel_loop3A_155 = arith.index_cast %parallel_loop3A_51 : i32 to index
      %parallel_loop3A_156 = tpu.vector_load %arg5[%parallel_loop3A_154, %parallel_loop3A_155] {strides = array<i32>} : memref<32x1024xf32, #tpu.memory_space<vmem>>, vector<1x16xf32>,
      %parallel_loop3A_157 = vector.shape_cast %parallel_loop3A_156 : vector<1x16xf32> to vector<16xf32>
      %parallel_loop3A_158 = arith.constant 14 : i32
      %parallel_loop3A_159 = arith.index_cast %parallel_loop3A_158 : i32 to index
      %parallel_loop3A_160 = arith.index_cast %parallel_loop3A_51 : i32 to index
      %parallel_loop3A_161 = tpu.vector_load %arg5[%parallel_loop3A_159, %parallel_loop3A_160] {strides = array<i32>} : memref<32x1024xf32, #tpu.memory_space<vmem>>, vector<1x16xf32>,
      %parallel_loop3A_162 = vector.shape_cast %parallel_loop3A_161 : vector<1x16xf32> to vector<16xf32>
      %parallel_loop3A_163 = arith.constant 15 : i32
      %parallel_loop3A_164 = arith.index_cast %parallel_loop3A_163 : i32 to index
      %parallel_loop3A_165 = arith.index_cast %parallel_loop3A_51 : i32 to index
      %parallel_loop3A_166 = tpu.vector_load %arg5[%parallel_loop3A_164, %parallel_loop3A_165] {strides = array<i32>} : memref<32x1024xf32, #tpu.memory_space<vmem>>, vector<1x16xf32>,
      %parallel_loop3A_167 = vector.shape_cast %parallel_loop3A_166 : vector<1x16xf32> to vector<16xf32>
      %parallel_loop3A_168 = arith.addf %parallel_loop3A_152, %parallel_loop3A_157 : vector<16xf32>
      %parallel_loop3A_169 = arith.addf %parallel_loop3A_162, %parallel_loop3A_167 : vector<16xf32>
      %parallel_loop3A_170 = arith.addf %parallel_loop3A_168, %parallel_loop3A_169 : vector<16xf32>
      %parallel_loop3A_171 = arith.constant 2.500000e-01 : f32
      %parallel_loop3A_172 = vector.broadcast %parallel_loop3A_171 : f32 to vector<16xf32>
      %parallel_loop3A_173 = arith.mulf %parallel_loop3A_170, %parallel_loop3A_172 : vector<16xf32>
      %parallel_loop3A_174 = arith.constant 3 : i32
      %parallel_loop3A_175 = arith.index_cast %parallel_loop3A_174 : i32 to index
      %parallel_loop3A_176 = arith.index_cast %parallel_loop3A_51 : i32 to index
      %parallel_loop3A_177 = tpu.vector_load %arg7[%parallel_loop3A_175, %parallel_loop3A_176] {strides = array<i32>} : memref<8x1024xf32, #tpu.memory_space<vmem>>, vector<1x16xf32>,
      %parallel_loop3A_178 = vector.shape_cast %parallel_loop3A_177 : vector<1x16xf32> to vector<16xf32>
      %parallel_loop3A_179 = vector.shape_cast %parallel_loop3A_173 : vector<16xf32> to vector<1x16xf32>
      tpu.vector_store %arg7[%parallel_loop3A_175, %parallel_loop3A_176], %parallel_loop3A_179 {strides = array<i32>} : memref<8x1024xf32, #tpu.memory_space<vmem>>, vector<1x16xf32>,
      %parallel_loop3A_180 = arith.constant 16 : i32
      %parallel_loop3A_181 = arith.index_cast %parallel_loop3A_180 : i32 to index
      %parallel_loop3A_182 = arith.index_cast %parallel_loop3A_51 : i32 to index
      %parallel_loop3A_183 = tpu.vector_load %arg5[%parallel_loop3A_181, %parallel_loop3A_182] {strides = array<i32>} : memref<32x1024xf32, #tpu.memory_space<vmem>>, vector<1x16xf32>,
      %parallel_loop3A_184 = vector.shape_cast %parallel_loop3A_183 : vector<1x16xf32> to vector<16xf32>
      %parallel_loop3A_185 = arith.constant 17 : i32
      %parallel_loop3A_186 = arith.index_cast %parallel_loop3A_185 : i32 to index
      %parallel_loop3A_187 = arith.index_cast %parallel_loop3A_51 : i32 to index
      %parallel_loop3A_188 = tpu.vector_load %arg5[%parallel_loop3A_186, %parallel_loop3A_187] {strides = array<i32>} : memref<32x1024xf32, #tpu.memory_space<vmem>>, vector<1x16xf32>,
      %parallel_loop3A_189 = vector.shape_cast %parallel_loop3A_188 : vector<1x16xf32> to vector<16xf32>
      %parallel_loop3A_190 = arith.constant 18 : i32
      %parallel_loop3A_191 = arith.index_cast %parallel_loop3A_190 : i32 to index
      %parallel_loop3A_192 = arith.index_cast %parallel_loop3A_51 : i32 to index
      %parallel_loop3A_193 = tpu.vector_load %arg5[%parallel_loop3A_191, %parallel_loop3A_192] {strides = array<i32>} : memref<32x1024xf32, #tpu.memory_space<vmem>>, vector<1x16xf32>,
      %parallel_loop3A_194 = vector.shape_cast %parallel_loop3A_193 : vector<1x16xf32> to vector<16xf32>
      %parallel_loop3A_195 = arith.constant 19 : i32
      %parallel_loop3A_196 = arith.index_cast %parallel_loop3A_195 : i32 to index
      %parallel_loop3A_197 = arith.index_cast %parallel_loop3A_51 : i32 to index
      %parallel_loop3A_198 = tpu.vector_load %arg5[%parallel_loop3A_196, %parallel_loop3A_197] {strides = array<i32>} : memref<32x1024xf32, #tpu.memory_space<vmem>>, vector<1x16xf32>,
      %parallel_loop3A_199 = vector.shape_cast %parallel_loop3A_198 : vector<1x16xf32> to vector<16xf32>
      %parallel_loop3A_200 = arith.addf %parallel_loop3A_184, %parallel_loop3A_189 : vector<16xf32>
      %parallel_loop3A_201 = arith.addf %parallel_loop3A_194, %parallel_loop3A_199 : vector<16xf32>
      %parallel_loop3A_202 = arith.addf %parallel_loop3A_200, %parallel_loop3A_201 : vector<16xf32>
      %parallel_loop3A_203 = arith.constant 2.500000e-01 : f32
      %parallel_loop3A_204 = vector.broadcast %parallel_loop3A_203 : f32 to vector<16xf32>
      %parallel_loop3A_205 = arith.mulf %parallel_loop3A_202, %parallel_loop3A_204 : vector<16xf32>
      %parallel_loop3A_206 = arith.constant 4 : i32
      %parallel_loop3A_207 = arith.index_cast %parallel_loop3A_206 : i32 to index
      %parallel_loop3A_208 = arith.index_cast %parallel_loop3A_51 : i32 to index
      %parallel_loop3A_209 = tpu.vector_load %arg7[%parallel_loop3A_207, %parallel_loop3A_208] {strides = array<i32>} : memref<8x1024xf32, #tpu.memory_space<vmem>>, vector<1x16xf32>,
      %parallel_loop3A_210 = vector.shape_cast %parallel_loop3A_209 : vector<1x16xf32> to vector<16xf32>
      %parallel_loop3A_211 = vector.shape_cast %parallel_loop3A_205 : vector<16xf32> to vector<1x16xf32>
      tpu.vector_store %arg7[%parallel_loop3A_207, %parallel_loop3A_208], %parallel_loop3A_211 {strides = array<i32>} : memref<8x1024xf32, #tpu.memory_space<vmem>>, vector<1x16xf32>,
      %parallel_loop3A_212 = arith.constant 20 : i32
      %parallel_loop3A_213 = arith.index_cast %parallel_loop3A_212 : i32 to index
      %parallel_loop3A_214 = arith.index_cast %parallel_loop3A_51 : i32 to index
      %parallel_loop3A_215 = tpu.vector_load %arg5[%parallel_loop3A_213, %parallel_loop3A_214] {strides = array<i32>} : memref<32x1024xf32, #tpu.memory_space<vmem>>, vector<1x16xf32>,
      %parallel_loop3A_216 = vector.shape_cast %parallel_loop3A_215 : vector<1x16xf32> to vector<16xf32>
      %parallel_loop3A_217 = arith.constant 21 : i32
      %parallel_loop3A_218 = arith.index_cast %parallel_loop3A_217 : i32 to index
      %parallel_loop3A_219 = arith.index_cast %parallel_loop3A_51 : i32 to index
      %parallel_loop3A_220 = tpu.vector_load %arg5[%parallel_loop3A_218, %parallel_loop3A_219] {strides = array<i32>} : memref<32x1024xf32, #tpu.memory_space<vmem>>, vector<1x16xf32>,
      %parallel_loop3A_221 = vector.shape_cast %parallel_loop3A_220 : vector<1x16xf32> to vector<16xf32>
      %parallel_loop3A_222 = arith.constant 22 : i32
      %parallel_loop3A_223 = arith.index_cast %parallel_loop3A_222 : i32 to index
      %parallel_loop3A_224 = arith.index_cast %parallel_loop3A_51 : i32 to index
      %parallel_loop3A_225 = tpu.vector_load %arg5[%parallel_loop3A_223, %parallel_loop3A_224] {strides = array<i32>} : memref<32x1024xf32, #tpu.memory_space<vmem>>, vector<1x16xf32>,
      %parallel_loop3A_226 = vector.shape_cast %parallel_loop3A_225 : vector<1x16xf32> to vector<16xf32>
      %parallel_loop3A_227 = arith.constant 23 : i32
      %parallel_loop3A_228 = arith.index_cast %parallel_loop3A_227 : i32 to index
      %parallel_loop3A_229 = arith.index_cast %parallel_loop3A_51 : i32 to index
      %parallel_loop3A_230 = tpu.vector_load %arg5[%parallel_loop3A_228, %parallel_loop3A_229] {strides = array<i32>} : memref<32x1024xf32, #tpu.memory_space<vmem>>, vector<1x16xf32>,
      %parallel_loop3A_231 = vector.shape_cast %parallel_loop3A_230 : vector<1x16xf32> to vector<16xf32>
      %parallel_loop3A_232 = arith.addf %parallel_loop3A_216, %parallel_loop3A_221 : vector<16xf32>
      %parallel_loop3A_233 = arith.addf %parallel_loop3A_226, %parallel_loop3A_231 : vector<16xf32>
      %parallel_loop3A_234 = arith.addf %parallel_loop3A_232, %parallel_loop3A_233 : vector<16xf32>
      %parallel_loop3A_235 = arith.constant 2.500000e-01 : f32
      %parallel_loop3A_236 = vector.broadcast %parallel_loop3A_235 : f32 to vector<16xf32>
      %parallel_loop3A_237 = arith.mulf %parallel_loop3A_234, %parallel_loop3A_236 : vector<16xf32>
      %parallel_loop3A_238 = arith.constant 5 : i32
      %parallel_loop3A_239 = arith.index_cast %parallel_loop3A_238 : i32 to index
      %parallel_loop3A_240 = arith.index_cast %parallel_loop3A_51 : i32 to index
      %parallel_loop3A_241 = tpu.vector_load %arg7[%parallel_loop3A_239, %parallel_loop3A_240] {strides = array<i32>} : memref<8x1024xf32, #tpu.memory_space<vmem>>, vector<1x16xf32>,
      %parallel_loop3A_242 = vector.shape_cast %parallel_loop3A_241 : vector<1x16xf32> to vector<16xf32>
      %parallel_loop3A_243 = vector.shape_cast %parallel_loop3A_237 : vector<16xf32> to vector<1x16xf32>
      tpu.vector_store %arg7[%parallel_loop3A_239, %parallel_loop3A_240], %parallel_loop3A_243 {strides = array<i32>} : memref<8x1024xf32, #tpu.memory_space<vmem>>, vector<1x16xf32>,
      %parallel_loop3A_244 = arith.constant 24 : i32
      %parallel_loop3A_245 = arith.index_cast %parallel_loop3A_244 : i32 to index
      %parallel_loop3A_246 = arith.index_cast %parallel_loop3A_51 : i32 to index
      %parallel_loop3A_247 = tpu.vector_load %arg5[%parallel_loop3A_245, %parallel_loop3A_246] {strides = array<i32>} : memref<32x1024xf32, #tpu.memory_space<vmem>>, vector<1x16xf32>,
      %parallel_loop3A_248 = vector.shape_cast %parallel_loop3A_247 : vector<1x16xf32> to vector<16xf32>
      %parallel_loop3A_249 = arith.constant 25 : i32
      %parallel_loop3A_250 = arith.index_cast %parallel_loop3A_249 : i32 to index
      %parallel_loop3A_251 = arith.index_cast %parallel_loop3A_51 : i32 to index
      %parallel_loop3A_252 = tpu.vector_load %arg5[%parallel_loop3A_250, %parallel_loop3A_251] {strides = array<i32>} : memref<32x1024xf32, #tpu.memory_space<vmem>>, vector<1x16xf32>,
      %parallel_loop3A_253 = vector.shape_cast %parallel_loop3A_252 : vector<1x16xf32> to vector<16xf32>
      %parallel_loop3A_254 = arith.constant 26 : i32
      %parallel_loop3A_255 = arith.index_cast %parallel_loop3A_254 : i32 to index
      %parallel_loop3A_256 = arith.index_cast %parallel_loop3A_51 : i32 to index
      %parallel_loop3A_257 = tpu.vector_load %arg5[%parallel_loop3A_255, %parallel_loop3A_256] {strides = array<i32>} : memref<32x1024xf32, #tpu.memory_space<vmem>>, vector<1x16xf32>,
      %parallel_loop3A_258 = vector.shape_cast %parallel_loop3A_257 : vector<1x16xf32> to vector<16xf32>
      %parallel_loop3A_259 = arith.constant 27 : i32
      %parallel_loop3A_260 = arith.index_cast %parallel_loop3A_259 : i32 to index
      %parallel_loop3A_261 = arith.index_cast %parallel_loop3A_51 : i32 to index
      %parallel_loop3A_262 = tpu.vector_load %arg5[%parallel_loop3A_260, %parallel_loop3A_261] {strides = array<i32>} : memref<32x1024xf32, #tpu.memory_space<vmem>>, vector<1x16xf32>,
      %parallel_loop3A_263 = vector.shape_cast %parallel_loop3A_262 : vector<1x16xf32> to vector<16xf32>
      %parallel_loop3A_264 = arith.addf %parallel_loop3A_248, %parallel_loop3A_253 : vector<16xf32>
      %parallel_loop3A_265 = arith.addf %parallel_loop3A_258, %parallel_loop3A_263 : vector<16xf32>
      %parallel_loop3A_266 = arith.addf %parallel_loop3A_264, %parallel_loop3A_265 : vector<16xf32>
      %parallel_loop3A_267 = arith.constant 2.500000e-01 : f32
      %parallel_loop3A_268 = vector.broadcast %parallel_loop3A_267 : f32 to vector<16xf32>
      %parallel_loop3A_269 = arith.mulf %parallel_loop3A_266, %parallel_loop3A_268 : vector<16xf32>
      %parallel_loop3A_270 = arith.constant 6 : i32
      %parallel_loop3A_271 = arith.index_cast %parallel_loop3A_270 : i32 to index
      %parallel_loop3A_272 = arith.index_cast %parallel_loop3A_51 : i32 to index
      %parallel_loop3A_273 = tpu.vector_load %arg7[%parallel_loop3A_271, %parallel_loop3A_272] {strides = array<i32>} : memref<8x1024xf32, #tpu.memory_space<vmem>>, vector<1x16xf32>,
      %parallel_loop3A_274 = vector.shape_cast %parallel_loop3A_273 : vector<1x16xf32> to vector<16xf32>
      %parallel_loop3A_275 = vector.shape_cast %parallel_loop3A_269 : vector<16xf32> to vector<1x16xf32>
      tpu.vector_store %arg7[%parallel_loop3A_271, %parallel_loop3A_272], %parallel_loop3A_275 {strides = array<i32>} : memref<8x1024xf32, #tpu.memory_space<vmem>>, vector<1x16xf32>,
      %parallel_loop3A_276 = arith.constant 28 : i32
      %parallel_loop3A_277 = arith.index_cast %parallel_loop3A_276 : i32 to index
      %parallel_loop3A_278 = arith.index_cast %parallel_loop3A_51 : i32 to index
      %parallel_loop3A_279 = tpu.vector_load %arg5[%parallel_loop3A_277, %parallel_loop3A_278] {strides = array<i32>} : memref<32x1024xf32, #tpu.memory_space<vmem>>, vector<1x16xf32>,
      %parallel_loop3A_280 = vector.shape_cast %parallel_loop3A_279 : vector<1x16xf32> to vector<16xf32>
      %parallel_loop3A_281 = arith.constant 29 : i32
      %parallel_loop3A_282 = arith.index_cast %parallel_loop3A_281 : i32 to index
      %parallel_loop3A_283 = arith.index_cast %parallel_loop3A_51 : i32 to index
      %parallel_loop3A_284 = tpu.vector_load %arg5[%parallel_loop3A_282, %parallel_loop3A_283] {strides = array<i32>} : memref<32x1024xf32, #tpu.memory_space<vmem>>, vector<1x16xf32>,
      %parallel_loop3A_285 = vector.shape_cast %parallel_loop3A_284 : vector<1x16xf32> to vector<16xf32>
      %parallel_loop3A_286 = arith.constant 30 : i32
      %parallel_loop3A_287 = arith.index_cast %parallel_loop3A_286 : i32 to index
      %parallel_loop3A_288 = arith.index_cast %parallel_loop3A_51 : i32 to index
      %parallel_loop3A_289 = tpu.vector_load %arg5[%parallel_loop3A_287, %parallel_loop3A_288] {strides = array<i32>} : memref<32x1024xf32, #tpu.memory_space<vmem>>, vector<1x16xf32>,
      %parallel_loop3A_290 = vector.shape_cast %parallel_loop3A_289 : vector<1x16xf32> to vector<16xf32>
      %parallel_loop3A_291 = arith.constant 31 : i32
      %parallel_loop3A_292 = arith.index_cast %parallel_loop3A_291 : i32 to index
      %parallel_loop3A_293 = arith.index_cast %parallel_loop3A_51 : i32 to index
      %parallel_loop3A_294 = tpu.vector_load %arg5[%parallel_loop3A_292, %parallel_loop3A_293] {strides = array<i32>} : memref<32x1024xf32, #tpu.memory_space<vmem>>, vector<1x16xf32>,
      %parallel_loop3A_295 = vector.shape_cast %parallel_loop3A_294 : vector<1x16xf32> to vector<16xf32>
      %parallel_loop3A_296 = arith.addf %parallel_loop3A_280, %parallel_loop3A_285 : vector<16xf32>
      %parallel_loop3A_297 = arith.addf %parallel_loop3A_290, %parallel_loop3A_295 : vector<16xf32>
      %parallel_loop3A_298 = arith.addf %parallel_loop3A_296, %parallel_loop3A_297 : vector<16xf32>
      %parallel_loop3A_299 = arith.constant 2.500000e-01 : f32
      %parallel_loop3A_300 = vector.broadcast %parallel_loop3A_299 : f32 to vector<16xf32>
      %parallel_loop3A_301 = arith.mulf %parallel_loop3A_298, %parallel_loop3A_300 : vector<16xf32>
      %parallel_loop3A_302 = arith.constant 7 : i32
      %parallel_loop3A_303 = arith.index_cast %parallel_loop3A_302 : i32 to index
      %parallel_loop3A_304 = arith.index_cast %parallel_loop3A_51 : i32 to index
      %parallel_loop3A_305 = tpu.vector_load %arg7[%parallel_loop3A_303, %parallel_loop3A_304] {strides = array<i32>} : memref<8x1024xf32, #tpu.memory_space<vmem>>, vector<1x16xf32>,
      %parallel_loop3A_306 = vector.shape_cast %parallel_loop3A_305 : vector<1x16xf32> to vector<16xf32>
      %parallel_loop3A_307 = vector.shape_cast %parallel_loop3A_301 : vector<16xf32> to vector<1x16xf32>
      tpu.vector_store %arg7[%parallel_loop3A_303, %parallel_loop3A_304], %parallel_loop3A_307 {strides = array<i32>} : memref<8x1024xf32, #tpu.memory_space<vmem>>, vector<1x16xf32>,
    } {sc.loop_unroll_factor = 4 : i64, sc.parallel_access}
    %add3A_34 = arith.constant 8 : i32
    %add3A_35 = arith.addi %mul3A_2, %add3A_34 : i32
    %dma_start3A_36 = arith.constant 0 : i32
    %dma_start3A_37 = tpu.memref_slice %arg3[%add3A_35, %dma_start3A_36] : memref<512x1024xf32, #tpu.memory_space<hbm>> -> memref<8x1024xf32, #tpu.memory_space<hbm>>
    %dma_start3A_38 = arith.constant 0 : i32
    %dma_start3A_39 = tpu.memref_slice %arg3[%add3A_35, %dma_start3A_38] : memref<512x1024xf32, #tpu.memory_space<hbm>> -> memref<8x1024xf32, #tpu.memory_space<hbm>>
    tpu.enqueue_dma source(%arg7 : memref<8x1024xf32, #tpu.memory_space<vmem>>) target(%dma_start3A_39 : memref<8x1024xf32, #tpu.memory_space<hbm>>) target_semaphore(%arg11 : memref<!tpu.dma_semaphore, #tpu.memory_space<semaphore_mem>>)
    %dma_wait3A_40 = arith.constant 0 : i32
    %dma_wait3A_41 = tpu.memref_slice %arg3[%add3A_22, %dma_wait3A_40] : memref<512x1024xf32, #tpu.memory_space<hbm>> -> memref<8x1024xf32, #tpu.memory_space<hbm>>
    %dma_wait3A_42 = arith.constant 0 : i32
    %dma_wait3A_43 = tpu.memref_slice %arg3[%add3A_22, %dma_wait3A_42] : memref<512x1024xf32, #tpu.memory_space<hbm>> -> memref<8x1024xf32, #tpu.memory_space<hbm>>
    tpu.wait_dma2 semaphore(%arg10 : memref<!tpu.dma_semaphore, #tpu.memory_space<semaphore_mem>>) src(%arg6 : memref<8x1024xf32, #tpu.memory_space<vmem>>) dst(%dma_wait3A_43 : memref<8x1024xf32, #tpu.memory_space<hbm>>)
    %dma_wait3A_44 = arith.constant 0 : i32
    %dma_wait3A_45 = tpu.memref_slice %arg3[%add3A_35, %dma_wait3A_44] : memref<512x1024xf32, #tpu.memory_space<hbm>> -> memref<8x1024xf32, #tpu.memory_space<hbm>>
    %dma_wait3A_46 = arith.constant 0 : i32
    %dma_wait3A_47 = tpu.memref_slice %arg3[%add3A_35, %dma_wait3A_46] : memref<512x1024xf32, #tpu.memory_space<hbm>> -> memref<8x1024xf32, #tpu.memory_space<hbm>>
    tpu.wait_dma2 semaphore(%arg11 : memref<!tpu.dma_semaphore, #tpu.memory_space<semaphore_mem>>) src(%arg7 : memref<8x1024xf32, #tpu.memory_space<vmem>>) dst(%dma_wait3A_47 : memref<8x1024xf32, #tpu.memory_space<hbm>>)
    return
  }
}

module attributes {stable_mosaic.version = 14 : i64} {
  func.func @_tc_body(%arg0: i32, %arg1: i32, %arg2: memref<2048x128xf32, #tpu.memory_space<vmem>>, %arg3: memref<512x128xf32, #tpu.memory_space<vmem>>) attributes {dimension_semantics = [#tpu.dimension_semantics<arbitrary>, #tpu.dimension_semantics<arbitrary>], iteration_bounds = array<i64: 1, 8>, scalar_prefetch = 0 : i64, scratch_operands = 0 : i64, tpu.core_type = #tpu.core_type<tc>, window_params = [{transform_indices = @transform_0, window_bounds = array<i64: 2048, 128>}, {transform_indices = @transform_1, window_bounds = array<i64: 512, 128>}]} {
    %get3A = arith.constant 0 : index
    %get3A_0 = arith.constant 0 : index
    %get3A_1 = tpu.strided_load %arg2[%get3A, %get3A_0] {strides = array<i32: 4, 1>} : memref<2048x128xf32, #tpu.memory_space<vmem>>, vector<512x128xf32>
    %get3A_2 = arith.constant 1 : index
    %get3A_3 = arith.constant 0 : index
    %get3A_4 = tpu.strided_load %arg2[%get3A_2, %get3A_3] {strides = array<i32: 4, 1>} : memref<2048x128xf32, #tpu.memory_space<vmem>>, vector<512x128xf32>
    %add3A = arith.addf %get3A_1, %get3A_4 : vector<512x128xf32>
    %get3A_5 = arith.constant 2 : index
    %get3A_6 = arith.constant 0 : index
    %get3A_7 = tpu.strided_load %arg2[%get3A_5, %get3A_6] {strides = array<i32: 4, 1>} : memref<2048x128xf32, #tpu.memory_space<vmem>>, vector<512x128xf32>
    %get3A_8 = arith.constant 3 : index
    %get3A_9 = arith.constant 0 : index
    %get3A_10 = tpu.strided_load %arg2[%get3A_8, %get3A_9] {strides = array<i32: 4, 1>} : memref<2048x128xf32, #tpu.memory_space<vmem>>, vector<512x128xf32>
    %add3A_11 = arith.addf %get3A_7, %get3A_10 : vector<512x128xf32>
    %add3A_12 = arith.addf %add3A, %add3A_11 : vector<512x128xf32>
    %mul3A = arith.constant 2.500000e-01 : f32
    %mul3A_13 = vector.broadcast %mul3A : f32 to vector<512x128xf32>
    %mul3A_14 = arith.mulf %add3A_12, %mul3A_13 : vector<512x128xf32>
    %swap3A = arith.constant 0 : index
    %swap3A_15 = arith.constant 0 : index
    %swap3A_16 = vector.load %arg3[%swap3A, %swap3A_15] : memref<512x128xf32, #tpu.memory_space<vmem>>, vector<512x128xf32>
    tpu.vector_store %arg3[%swap3A, %swap3A_15], %mul3A_14 {strides = array<i32>} : memref<512x128xf32, #tpu.memory_space<vmem>>, vector<512x128xf32>,
    return
  }
  func.func @transform_0(%arg0: i32, %arg1: i32) -> (i32, i32) {
    %add3A = arith.constant 1 : i32
    %add3A_0 = arith.addi %arg0, %add3A : i32
    %c0_i32 = arith.constant 0 : i32
    return %add3A_0, %arg1 : i32, i32
  }
  func.func @transform_1(%arg0: i32, %arg1: i32) -> (i32, i32) {
    %add3A = arith.constant 1 : i32
    %add3A_0 = arith.addi %arg0, %add3A : i32
    %c0_i32 = arith.constant 0 : i32
    return %add3A_0, %arg1 : i32, i32
  }
}

module attributes {stable_mosaic.version = 14 : i64} {
  func.func @_tc_body_aliased(%arg0: i32, %arg1: i32, %arg2: memref<4096x128xf32, #tpu.memory_space<vmem>>, %arg3: memref<2048x1024xf32, #tpu.memory_space<any>>, %arg4: memref<1024x128xf32, #tpu.memory_space<vmem>>) attributes {dimension_semantics = [#tpu.dimension_semantics<arbitrary>, #tpu.dimension_semantics<arbitrary>], iteration_bounds = array<i64: 1, 8>, scalar_prefetch = 0 : i64, scratch_operands = 0 : i64, tpu.core_type = #tpu.core_type<tc>, window_params = [{transform_indices = @transform_0, window_bounds = array<i64: 4096, 128>}, {}, {transform_indices = @transform_2, window_bounds = array<i64: 1024, 128>}]} {
    %get3A = arith.constant 0 : index
    %get3A_0 = arith.constant 0 : index
    %get3A_1 = tpu.strided_load %arg2[%get3A, %get3A_0] {strides = array<i32: 4, 1>} : memref<4096x128xf32, #tpu.memory_space<vmem>>, vector<1024x128xf32>
    %get3A_2 = arith.constant 1 : index
    %get3A_3 = arith.constant 0 : index
    %get3A_4 = tpu.strided_load %arg2[%get3A_2, %get3A_3] {strides = array<i32: 4, 1>} : memref<4096x128xf32, #tpu.memory_space<vmem>>, vector<1024x128xf32>
    %add3A = arith.addf %get3A_1, %get3A_4 : vector<1024x128xf32>
    %get3A_5 = arith.constant 2 : index
    %get3A_6 = arith.constant 0 : index
    %get3A_7 = tpu.strided_load %arg2[%get3A_5, %get3A_6] {strides = array<i32: 4, 1>} : memref<4096x128xf32, #tpu.memory_space<vmem>>, vector<1024x128xf32>
    %get3A_8 = arith.constant 3 : index
    %get3A_9 = arith.constant 0 : index
    %get3A_10 = tpu.strided_load %arg2[%get3A_8, %get3A_9] {strides = array<i32: 4, 1>} : memref<4096x128xf32, #tpu.memory_space<vmem>>, vector<1024x128xf32>
    %add3A_11 = arith.addf %get3A_7, %get3A_10 : vector<1024x128xf32>
    %add3A_12 = arith.addf %add3A, %add3A_11 : vector<1024x128xf32>
    %mul3A = arith.constant 2.500000e-01 : f32
    %mul3A_13 = vector.broadcast %mul3A : f32 to vector<1024x128xf32>
    %mul3A_14 = arith.mulf %add3A_12, %mul3A_13 : vector<1024x128xf32>
    %swap3A = arith.constant 0 : index
    %swap3A_15 = arith.constant 0 : index
    %swap3A_16 = vector.load %arg4[%swap3A, %swap3A_15] : memref<1024x128xf32, #tpu.memory_space<vmem>>, vector<1024x128xf32>
    tpu.vector_store %arg4[%swap3A, %swap3A_15], %mul3A_14 {strides = array<i32>} : memref<1024x128xf32, #tpu.memory_space<vmem>>, vector<1024x128xf32>,
    return
  }
  func.func @transform_0(%arg0: i32, %arg1: i32) -> (i32, i32) {
    %add3A = arith.constant 1 : i32
    %add3A_0 = arith.addi %arg0, %add3A : i32
    %c0_i32 = arith.constant 0 : i32
    return %add3A_0, %arg1 : i32, i32
  }
  func.func @transform_2(%arg0: i32, %arg1: i32) -> (i32, i32) {
    %add3A = arith.constant 1 : i32
    %add3A_0 = arith.addi %arg0, %add3A : i32
    %c0_i32 = arith.constant 0 : i32
    return %add3A_0, %arg1 : i32, i32
  }
}

</mosaic_0001>

<sc_bundles>
// kernel: kernel.5.cloned.1.call-start
scs
__scs_entry_jumppad:
0x0: {  	(pc) =	sbr.rel $0x88, $3  }
0x1: {  	(tag) =	ssettag $0x0;
	lr =	simm.s32 $0x1  }
0x2: {  	[smem:$0x3FA0] =	sst lr;
	_ =	strace $0xD0000000  }
0x3: {  	_ = 	snop  }
0x4: {  	_ = 	snop  }
0x5: {  	_ = 	snop  }
0x6: {  	_ = 	snop  }
0x7: {  	_ = 	snop  }
__scs_overlays_trampoline_lowered:
0x8: {  	[smem:$0x3FAF] =	sst s0  }
0x9: {  	[smem:$0x3FB0] =	sst s1  }
0xa: {  	[smem:$0x3FB1] =	sst s2  }
0xb: {  	[smem:$0x3FB2] =	sst s3  }
0xc: {  	[smem:$0x3FB3] =	sst s4  }
0xd: {  	[smem:$0x3FB4] =	sst s5  }
0xe: {  	[smem:$0x3FB5] =	sst s6  }
0xf: {  	[smem:$0x3FB6] =	sst s7  }
0x10: {  	[smem:$0x3FB7] =	sst s8  }
0x11: {  	[smem:$0x3FB8] =	sst s9;
	s0 =	simm.s32 @!p0 $0x0  }
0x12: {  	s1 =	sld [smem:$0x3F9E];
	s0 =	simm.s32 @p0 $0x1  }
0x13: {  	[smem:$0x3FB9] =	sst s0;
	s0 =	simm.s32 @!p1 $0x0  }
0x14: {  	s2 =	sld [smem:$0x3F9D];
	s0 =	simm.s32 @p1 $0x1  }
0x15: {  	[smem:$0x3FBA] =	sst s0;
	s0 =	simm.s32 @!p2 $0x0  }
0x16: {  	s3 =	sld [smem:$0x3FDB];
	s0 =	simm.s32 @p2 $0x1  }
0x17: {  	s4 =	simm.s32 $0x1BF5;
	[smem:$0x3FBC] =	sst s0  }
0x18: {  	s0 =	sld [smem:$0x3F9F];
	_ =	swait.ge [sflag:s4], $0x0  }
0x19: {  	s7 =	sld [smem:$0x3FA0]  }
0x1a: {  	s8 =	sadd.s32 $0xFFFFE003, lr  }
0x1b: {  	s9 =	sadd.s32 $0xFFFFFEF7, lr;
	s5 =	simm.s32 $0xFFFFFFFF;
	p2 =	slt.u32 s8, $0xFFFFF086  }
0x1c: {  	p1 =	slt.u32 s9, $0xF7A;
	s5 =	simm.s32 @!p2 $0x0  }
0x1d: {  	s5 =	simm.s32 @p1 $0x1;
	p0 =	seq.s32 s7, s2  }
0x1e: {  	s7 =	smul.u32 @!p0 $0xF7A, s2;
	p2 =	seq.s32 @!p0 s5, $0x0  }
0x1f: {  	s9 =	smul.u32 $0xF7A, s1;
	s8 =	simm.s32 @!p0 $0x1BF5;
	p2 =	por !p2, p0  }
0x20: {  	[sflag:s8] =	ssyncset.s32 @!p0 $0xFFFFF086;
	s6 =	sadd.s32 @!p0 s3, s7;
	s7 =	simm.s32 @!p0 $0x108  }
0x21: {  	s3 =	sadd.s32 s3, s9;
	s6 =	sadd.s32 @!p0 $0x88, s6;
	s7 =	simm.s32 @p2 $0x1082  }
0x22: {  	[simem:s7], [sflag:s8] =	dma.local @!p0 [hbm:s6], $0xF7A  }
0x23: {  	s9 =	sor.u32 $0xD0000000, s2;
	s6 =	simm.s32 $0x108;
	_ =	swait.ge @!p0 [sflag:s8], $0x0  }
0x24: {  	s3 =	sadd.s32 $0x88, s3;
	s6 =	simm.s32 @!p1 $0x1082;
	[sflag:s4] =	ssyncset.s32 $0xFFFFF086  }
0x25: {  	[simem:s6], [sflag:s4] =	dma.local [hbm:s3], $0xF7A  }
0x26: {  	[smem:$0x3FA0] =	sst s1;
	(tag) =	ssettag s2;
	_ =	strace s9  }
0x27: {  	s1 =	sld [smem:$0x3FB0]  }
0x28: {  	s2 =	sld [smem:$0x3FB1]  }
0x29: {  	s4 =	sld [smem:$0x3FB3]  }
0x2a: {  	p0 =	seq.s32 s5, $0x0;
	s5 =	sld [smem:$0x3FB4]  }
0x2b: {  	s6 =	sld [smem:$0x3FB5]  }
0x2c: {  	s7 =	sld [smem:$0x3FB6]  }
0x2d: {  	s3 =	simm.s32 $0x108;
	s8 =	sld [smem:$0x3FB7]  }
0x2e: {  	s3 =	simm.s32 @!p0 $0x1082;
	s9 =	sld [smem:$0x3FB8]  }
0x2f: {  	lr =	sadd.s32 s0, s3;
	s0 =	sld [smem:$0x3FAF]  }
0x30: {  	s3 =	sld [smem:$0x3FB2]  }
0x31: {  	[smem:$0x3FBB] =	sst s10  }
0x32: {  	s10 =	sld [smem:$0x3FB9];
	_ =	sdelay $0x3  }
0x33: {  	p0 =	seq.s32 s10, $0x1;
	s10 =	sld [smem:$0x3FBB];
	_ =	sdelay $0x3  }
0x34: {  	[smem:$0x3FBB] =	sst s10  }
0x35: {  	s10 =	sld [smem:$0x3FBA];
	_ =	sdelay $0x3  }
0x36: {  	p1 =	seq.s32 s10, $0x1;
	s10 =	sld [smem:$0x3FBB];
	_ =	sdelay $0x3  }
0x37: {  	[smem:$0x3FBB] =	sst s10  }
0x38: {  	s10 =	sld [smem:$0x3FBC]  }
0x39: {  	_ = 	snop;
	(pc) =	sbr.ind lr, $3  }
0x3a: {  	_ = 	snop  }
0x3b: {  	_ = 	snop  }
0x3c: {  	p2 =	seq.s32 s10, $0x1;
	s10 =	sld [smem:$0x3FBB]  }
0x3d: {  	_ =	shalt  }
0x3e: {  	_ =	shalt  }
0x3f: {  	_ =	shalt  }
0x40: {  	_ =	shalt  }
0x41: {  	_ =	shalt  }
0x42: {  	_ =	shalt  }
0x43: {  	_ =	shalt  }
0x44: {  	_ =	shalt  }
0x45: {  	_ =	shalt  }
0x46: {  	_ =	shalt  }
0x47: {  	_ =	shalt  }
0x48: {  	_ =	shalt  }
0x49: {  	_ =	shalt  }
0x4a: {  	_ =	shalt  }
0x4b: {  	_ =	shalt  }
0x4c: {  	_ =	shalt  }
0x4d: {  	_ =	shalt  }
0x4e: {  	_ =	shalt  }
0x4f: {  	_ =	shalt  }
0x50: {  	_ =	shalt  }
0x51: {  	_ =	shalt  }
0x52: {  	_ =	shalt  }
0x53: {  	_ =	shalt  }
0x54: {  	_ =	shalt  }
0x55: {  	_ =	shalt  }
0x56: {  	_ =	shalt  }
0x57: {  	_ =	shalt  }
0x58: {  	_ =	shalt  }
0x59: {  	_ =	shalt  }
0x5a: {  	_ =	shalt  }
0x5b: {  	_ =	shalt  }
0x5c: {  	_ =	shalt  }
0x5d: {  	_ =	shalt  }
0x5e: {  	_ =	shalt  }
0x5f: {  	_ =	shalt  }
0x60: {  	_ =	shalt  }
0x61: {  	_ =	shalt  }
0x62: {  	_ =	shalt  }
0x63: {  	_ =	shalt  }
0x64: {  	_ =	shalt  }
0x65: {  	_ =	shalt  }
0x66: {  	_ =	shalt  }
0x67: {  	_ =	shalt  }
0x68: {  	_ =	shalt  }
0x69: {  	_ =	shalt  }
0x6a: {  	_ =	shalt  }
0x6b: {  	_ =	shalt  }
0x6c: {  	_ =	shalt  }
0x6d: {  	_ =	shalt  }
0x6e: {  	_ =	shalt  }
0x6f: {  	_ =	shalt  }
0x70: {  	_ =	shalt  }
0x71: {  	_ =	shalt  }
0x72: {  	_ =	shalt  }
0x73: {  	_ =	shalt  }
0x74: {  	_ =	shalt  }
0x75: {  	_ =	shalt  }
0x76: {  	_ =	shalt  }
0x77: {  	_ =	shalt  }
0x78: {  	_ =	shalt  }
0x79: {  	_ =	shalt  }
0x7a: {  	_ =	shalt  }
0x7b: {  	_ =	shalt  }
0x7c: {  	_ =	shalt  }
0x7d: {  	_ =	shalt  }
0x7e: {  	_ =	shalt  }
0x7f: {  	_ =	shalt  }
0x80: {  	_ =	shalt  }
0x81: {  	_ =	shalt  }
0x82: {  	_ =	shalt  }
0x83: {  	_ =	shalt  }
0x84: {  	_ =	shalt  }
0x85: {  	_ =	shalt  }
0x86: {  	_ =	shalt  }
0x87: {  	_ =	shalt  }
.Lfunc_end0:
.L_simem_size_0:
called_computation_lowered:
.L_overlay_start_0:
0x88: {  	s2 =	sld [smem:$0x3FD9]  }
0x89: {  	s3 =	sld [smem:$0x3FFE];
	_ =	sdelay $0x1  }
0x8a: {  	s1 =	srdreg.scid  }
0x8b: {  	s0 =	sand.u32 $0x1, s1  }
0x8c: {  	s17 =	sshll.u32 s0, $0xA;
	s2 =	sadd.s32 s3, s2  }
0x8d: {  	s2 =	sadd.s32 s2, s17  }
0x8e: {  	[smem:$0x3FC7] =	sst s2  }
0x8f: {  	_ = 	snop  }
0x90: {  	s2 =	sld [smem:$0x3FC9];
	(tm) =	ssettm $0x1  }
0x91: {  	s18 =	sld [smem:$0x3FFB];
	_ =	sdelay $0x3  }
0x92: {  	_ =	strace s18  }
0x93: {  	s3 =	sld [smem:$0x3FFC];
	_ =	sdelay $0x3  }
0x94: {  	_ =	strace s3  }
0x95: {  	s3 =	sld [smem:$0x3FFD];
	_ =	sdelay $0x3  }
0x96: {  	_ =	strace s3  }
0x97: {  	_ =	strace $0x8FFFFFFF  }
0x98: {  	s19 =	sld [smem:$0x3FDB];
	_ =	sdelay $0x1  }
0x99: {  	s4 =	simm.s32 $_scs_section_size  }
0x9a: {  	s5 =	simm.s32 $_size__tile_overlayer_lowered;
	s6 =	simm.s32 $_tile_overlayer_lowered  }
0x9b: {  	s22 =	simm.s32 $0x1BFF;
	s21 =	sshll.u32 s6, $0x1;
	s3 =	sadd.s32 s4, s19  }
0x9c: {  	s7 =	simm.s32 $0x0;
	s20 =	sshll.u32 s5, $0x1;
	s5 =	sadd.s32 s21, s3  }
0x9d: {  	[timem:s7], [sflag:s22] =	dma.local [hbm:s5], s20  }
0x9e: {  	_ =	swait.ge [sflag:s22], s20  }
0x9f: {  	s4 =	ssub.s32 $0x0, s20;
	[sflag:s22] =	ssyncset.done $0x0  }
0xa0: {  	[sflag:s22] =	ssyncadd.s32 s4;
	_ =	sdelay $0x1  }
0xa1: {  	s23 =	simm.s32 $0x1B8B  }
0xa2: {  	_ =	swait.ge [sflag:s23], $0x1  }
0xa3: {  	[sflag:s23] =	ssyncset.done $0x0  }
0xa4: {  	s25 =	simm.s32 $0x1B8E;
	s24 =	sld [smem:$0x3FFE];
	[sflag:s23] =	ssyncadd.s32 $0xFFFFFFFF  }
0xa5: {  	s26 =	simm.s32 $execute0_lowered;
	[smem:$0x3FD2] =	sst s25  }
0xa6: {  	s5 =	sshll.u32 s26, $0x1;
	_ =	strace $0x80000046;
	[dreg:$0x1] =	wrdreg $0xFFFFFFFF  }
0xa7: {  	s28 =	simm.s32 $_size_execute0_lowered;
	s3 =	sadd.s32 s3, s5;
	[dreg:$0x0] =	wrdreg $0x0  }
0xa8: {  	s5 =	sshll.u32 s28, $0x1;
	[dreg:$0x2] =	wrdreg s3  }
0xa9: {  	[dreg:$0x3] =	wrdreg s5  }
0xaa: {  	[dreg:$0x4] =	wrdreg $0xC0  }
0xab: {  	_ =	task [dreg:s7], $0x5FFFF  }
0xac: {  	[dreg:$0x1] =	wrdreg $0xFFFFFFFF  }
0xad: {  	[dreg:$0x0] =	wrdreg $0x60  }
0xae: {  	[dreg:$0x2] =	wrdreg s2  }
0xaf: {  	[dreg:$0x3] =	wrdreg s24  }
0xb0: {  	[dreg:$0x4] =	wrdreg $0x9  }
0xb1: {  	_ =	task.clear_ibuf [dreg:s7], $0x5FFFF;
	_ =	strace $0x90000046  }
0xb2: {  	s29 =	simm.s32 $0x9;
	_ =	strace $0x80000048  }
0xb3: {  	_ =	swait.ge [sflag:s29], $0x1  }
0xb4: {  	[sflag:s29] =	ssyncadd.s32 $0xFFFFFFFF  }
0xb5: {  	_ =	strace $0x90000048  }
0xb6: {  	_ =	sfence  }
0xb7: {  	s30 =	sld [smem:$0x0];
	_ =	sdelay $0x2  }
0xb8: {  	s31 =	sshll.u32 s1, $0xD;
	s1 =	sshrl.u32 s1, $0x2  }
0xb9: {  	s3 =	sand.u32 $0x4000, s31;
	s1 =	sadd.s32 s1, s30  }
0xba: {  	s0 =	sor.u32 s3, s0;
	s1 =	sshll.u32 s1, $0x11  }
0xbb: {  	s0 =	sor.u32 s1, s0  }
0xbc: {  	s0 =	sadd.s32 $0x8F2B, s0  }
0xbd: {  	[sflag:s0] =	ssyncadd.remote.s32 $0x1  }
0xbe: {  	_ =	sfence.sel $0xFFFF  }
0xbf: {  	[dreg:$0x0] =	wrdreg $0xFFFFFFFF;
	(pc) =	sbr.abs _section_cstart, $3  }
0xc0: {  	[dreg:$0x1] =	wrdreg $0xFFFFFFFF  }
0xc1: {  	_ =	task.clear_ibuf [dreg:s7], $0x2FFFF;
	_ =	strace $0x9FFFFFFF  }
0xc2: {  	(tm) =	ssettm $0x7FFFFFFF  }
0xc3: {  	_ =	shalt  }
tec
execute0_lowered:
.L_overlay_start_1:
0x0: {  	(tag) =	ssettag $0x1  }
0x1: {  	s2 =	srdreg.scid;
	s3 =	stileid.u32  }
0x2: {  	s0 =	rddreg [dreg:$0x0];
	s2 =	sand.u32 $0x1, s2;
	s3 =	sshll.u32 s3, $0x1  }
0x3: {  	s1 =	rddreg [dreg:$0x1];
	s18 =	simm.s32 $0x0;
	s3 =	sor.u32 s2, s3  }
0x4: {  	[smem:$0x7FF] =	sst s18;
	s4 =	sshll.u32 s3, $0xB;
	s3 =	sshll.u32 s3, $0xD  }
0x5: {  	_ =	strace $0x80000047;
	s2 =	ssub.s32 $0x2, s2;
	s0 =	sadd.s32 s0, s3  }
0x6: {  	s1 =	sadd.s32 s4, s1;
	[smem:$0x7F9] =	sst s0;
	s0 =	sadd.s32 $0x1000, s0  }
0x7: {  	s5 =	sshrl.u32 s2, $0x1;
	s29 =	sadd.s32 $0x400, s1;
	[smem:$0x7FA] =	sst s0  }
0x8: {  	s2 =	ssub.s32 s2, s5;
	s30 =	sadd.s32 $0x800, s1;
	[smem:$0x7FB] =	sst s29  }
0x9: {  	s31 =	smax.u32 s2, $0x1;
	[smem:$0x7FC] =	sst s30  }
0xa: {  	s2 =	simm.s32 $0x0;
	[smem:$0x7FD] =	sst s31  }
.LBB2_1:
0xb: {  	s0 =	sld [smem:$0x7F9];
	_ =	sdelay $0x1  }
0xc: {  	s28 =	sld [smem:$0x7FA]  }
0xd: {  	[tilespmem:s18], [sflag:$0x1] =	stream.linear.gather [hbm4b:s0+s18], $0x8000, $0x38;
	[tilespmem:$0x14000] =	vst v63  }
0xe: {  	[smem:$0x7F0] =	sst s2;
	s1 =	simm.s32 $0x8000;
	s29 =	simm.s32 $0x1  }
0xf: {  	[tilespmem:s1], [sflag:$0x2] =	stream.linear.gather [hbm4b:s28+s18], $0x8000, $0x38;
	[tilespmem:$0x14000] =	vst v63  }
0x10: {  	s23 =	sand.u32 $0x40, s18;
	_ =	swait.ge [sflag:s29], $0x8000  }
0x11: {  	s5 =	sand.u32 $0x1C00, s18;
	s2 =	sor.u32 $0x30, s23;
	[sflag:s29] =	ssyncset.done $0x0  }
0x12: {  	s17 =	sor.u32 s5, s2;
	[sflag:s29] =	ssyncadd.s32 $0xFFFF8000  }
0x13: {  	v0 =	vld [tilespmem:s17+$0x0]  }
0x14: {  	v1 =	vld [tilespmem:s17+$0x80]  }
0x15: {  	v2 =	vld [tilespmem:s17+$0x100]  }
0x16: {  	v3 =	vld [tilespmem:s17+$0x180];
	_ =	sdelay $0x1  }
0x17: {  	s4 =	sor.u32 $0x10, s23  }
0x18: {  	s15 =	sor.u32 s5, s4  }
0x19: {  	v4 =	vld [tilespmem:s15+$0x0]  }
0x1a: {  	v5 =	vld [tilespmem:s15+$0x80];
	v0 =	vadd.f32 v1, v0;
	v1 =	vadd.f32 v3, v2  }
0x1b: {  	p0 =	por $0x0, $0x0;
	s0 =	simm.s32 $0x1;
	s28 =	sor.u32 $0x20, s23;
	v2 =	vld [tilespmem:s15+$0x100]  }
0x1c: {  	s0 =	simm.s32 @!p0 $0x0;
	s12 =	sor.u32 s5, s28;
	v3 =	vld [tilespmem:s15+$0x180];
	v0 =	vadd.f32 v1, v0  }
0x1d: {  	s0 =	sshll.u32 s0, $0x6;
	v6 =	vld [tilespmem:s12+$0x80]  }
0x1e: {  	s3 =	sadd.s32 $0x0, s0;
	v7 =	vld [tilespmem:s12+$0x100];
	v0 =	vmul.f32 $2.500000000e-01, v0  }
0x1f: {  	s6 =	sadd.s32 $0x30, s3;
	v8 =	vld [tilespmem:s12+$0x180]  }
0x20: {  	s16 =	sor.u32 $0x200, s6;
	v1 =	vld [tilespmem:s12+$0x0];
	[tilespmem:s17+$0x10000] =	vst v0  }
0x21: {  	s1 =	sor.u32 $0x280, s6;
	v2 =	vadd.f32 v3, v2;
	v0 =	vadd.f32 v5, v4;
	v3 =	vld [tilespmem:s16+$0x0]  }
0x22: {  	s0 =	sor.u32 $0x300, s6;
	s6 =	sor.u32 $0x380, s6;
	v4 =	vld [tilespmem:s1+$0x0]  }
0x23: {  	v0 =	vadd.f32 v2, v0;
	v2 =	vld [tilespmem:s0+$0x0];
	[smem:$0x7F4] =	sst s6  }
0x24: {  	s13 =	sor.u32 s23, s5;
	v5 =	vld [tilespmem:s6+$0x0]  }
0x25: {  	v9 =	vld [tilespmem:s13+$0x0];
	v0 =	vmul.f32 $2.500000000e-01, v0  }
0x26: {  	s7 =	sadd.s32 $0x10, s3;
	v1 =	vadd.f32 v6, v1;
	v6 =	vadd.f32 v8, v7;
	v10 =	vld [tilespmem:s13+$0x80]  }
0x27: {  	s8 =	sor.u32 $0x200, s7;
	v7 =	vld [tilespmem:s13+$0x100];
	[tilespmem:s15+$0x10000] =	vst v0  }
0x28: {  	s29 =	sor.u32 $0x280, s7;
	s6 =	sor.u32 $0x300, s7;
	s7 =	sor.u32 $0x380, s7;
	v0 =	vadd.f32 v6, v1;
	v1 =	vld [tilespmem:s8+$0x0]  }
0x29: {  	v3 =	vadd.f32 v4, v3;
	v6 =	vld [tilespmem:s29+$0x0];
	[smem:$0x7F5] =	sst s7;
	v2 =	vadd.f32 v5, v2  }
0x2a: {  	v0 =	vmul.f32 $2.500000000e-01, v0;
	v4 =	vld [tilespmem:s6+$0x0]  }
0x2b: {  	s9 =	sadd.s32 $0x20, s3;
	v5 =	vld [tilespmem:s7+$0x0];
	v2 =	vadd.f32 v2, v3  }
0x2c: {  	s11 =	sor.u32 $0x200, s9;
	v3 =	vld [tilespmem:s13+$0x180];
	[tilespmem:s12+$0x10000] =	vst v0  }
0x2d: {  	s26 =	sor.u32 $0x280, s9;
	v0 =	vld [tilespmem:s11+$0x0];
	v2 =	vmul.f32 $2.500000000e-01, v2  }
0x2e: {  	s21 =	sor.u32 $0x2000, s5;
	s20 =	sor.u32 $0x300, s9;
	v8 =	vld [tilespmem:s26+$0x0]  }
0x2f: {  	s10 =	sor.u32 s2, s21;
	s7 =	sor.u32 $0x2080, s5;
	v11 =	vld [tilespmem:s20+$0x0];
	[tilespmem:s17+$0x10080] =	vst v2  }
0x30: {  	s22 =	sor.u32 $0x2100, s5;
	s9 =	sor.u32 $0x380, s9;
	s30 =	sor.u32 s2, s7;
	v1 =	vadd.f32 v6, v1;
	v2 =	vadd.f32 v5, v4;
	v4 =	vld [tilespmem:s10+$0x0]  }
0x31: {  	s31 =	sor.u32 s2, s22;
	v5 =	vadd.f32 v10, v9;
	v3 =	vadd.f32 v3, v7;
	v6 =	vld [tilespmem:s30+$0x0];
	[smem:$0x7F6] =	sst s9  }
0x32: {  	s24 =	sor.u32 $0x2180, s5;
	v1 =	vadd.f32 v2, v1;
	v2 =	vld [tilespmem:s31+$0x0]  }
0x33: {  	s14 =	sor.u32 s2, s24;
	v3 =	vadd.f32 v3, v5;
	v5 =	vld [tilespmem:s9+$0x0]  }
0x34: {  	v7 =	vld [tilespmem:s14+$0x0];
	v1 =	vmul.f32 $2.500000000e-01, v1  }
0x35: {  	v3 =	vmul.f32 $2.500000000e-01, v3  }
0x36: {  	s19 =	sor.u32 s4, s21;
	[tilespmem:s15+$0x10080] =	vst v1  }
0x37: {  	s25 =	sor.u32 $0x300, s3;
	s14 =	sor.u32 $0x200, s3;
	v1 =	vld [tilespmem:s19+$0x0];
	[tilespmem:s13+$0x10000] =	vst v3  }
0x38: {  	s10 =	sor.u32 $0x280, s3;
	s30 =	sor.u32 s18, s18;
	v0 =	vadd.f32 v8, v0;
	v3 =	vadd.f32 v5, v11;
	v5 =	vld [tilespmem:s14+$0x0];
	[smem:$0x7F1] =	sst s25  }
0x39: {  	s3 =	sor.u32 $0x380, s30;
	v4 =	vadd.f32 v6, v4;
	v2 =	vadd.f32 v7, v2;
	v8 =	vld [tilespmem:s10+$0x0]  }
0x3a: {  	v0 =	vadd.f32 v3, v0;
	v3 =	vld [tilespmem:s25+$0x0];
	[dreg:$0x3] =	wrdreg s3  }
0x3b: {  	v2 =	vadd.f32 v2, v4;
	v6 =	vld [tilespmem:s3+$0x0]  }
0x3c: {  	s31 =	sor.u32 s4, s7  }
0x3d: {  	s9 =	sor.u32 s4, s22;
	v4 =	vld [tilespmem:s31+$0x0];
	v2 =	vmul.f32 $2.500000000e-01, v2  }
0x3e: {  	s18 =	sor.u32 s4, s24;
	v7 =	vld [tilespmem:s9+$0x0];
	s9 =	sor.u32 $0x2200, s5;
	v0 =	vmul.f32 $2.500000000e-01, v0  }
0x3f: {  	v60 =	vld [tilespmem:s18+$0x0];
	s25 =	sor.u32 s2, s9;
	[tilespmem:s17+$0x10100] =	vst v2  }
0x40: {  	s19 =	sor.u32 s28, s21;
	s3 =	sor.u32 $0x2280, s5;
	[tilespmem:s12+$0x10080] =	vst v0;
	v2 =	vld [tilespmem:s25+$0x0];
	v5 =	vadd.f32 v8, v5;
	v3 =	vadd.f32 v6, v3  }
0x41: {  	s18 =	sor.u32 $0x2300, s5;
	v0 =	vld [tilespmem:s19+$0x0];
	s19 =	sor.u32 s2, s3  }
0x42: {  	s25 =	sor.u32 s2, s18;
	v6 =	vld [tilespmem:s19+$0x0];
	s19 =	sor.u32 $0x2380, s5;
	v3 =	vadd.f32 v3, v5  }
0x43: {  	v8 =	vld [tilespmem:s25+$0x0];
	s30 =	sor.u32 s2, s19  }
0x44: {  	s31 =	sor.u32 s28, s7;
	v5 =	vld [tilespmem:s30+$0x0];
	v3 =	vmul.f32 $2.500000000e-01, v3  }
0x45: {  	v61 =	vld [tilespmem:s31+$0x0];
	s31 =	sor.u32 s28, s24;
	v1 =	vadd.f32 v4, v1;
	v4 =	vadd.f32 v60, v7  }
0x46: {  	s21 =	sor.u32 s23, s21;
	v62 =	vld [tilespmem:s31+$0x0];
	[tilespmem:s13+$0x10080] =	vst v3  }
0x47: {  	s7 =	sor.u32 s23, s7;
	v1 =	vadd.f32 v4, v1;
	v3 =	vld [tilespmem:s21+$0x0]  }
0x48: {  	s30 =	sor.u32 s28, s22;
	s22 =	sor.u32 s23, s22;
	v4 =	vld [tilespmem:s7+$0x0]  }
0x49: {  	s24 =	sor.u32 s23, s24;
	v1 =	vmul.f32 $2.500000000e-01, v1;
	v2 =	vadd.f32 v6, v2;
	v5 =	vadd.f32 v5, v8;
	v6 =	vld [tilespmem:s22+$0x0]  }
0x4a: {  	v8 =	vld [tilespmem:s24+$0x0]  }
0x4b: {  	s31 =	sor.u32 s4, s18;
	v7 =	vld [tilespmem:s30+$0x0];
	[tilespmem:s15+$0x10100] =	vst v1;
	v1 =	vadd.f32 v5, v2  }
0x4c: {  	v63 =	vld [tilespmem:s31+$0x0];
	s21 =	sor.u32 s4, s19  }
0x4d: {  	s25 =	sor.u32 s4, s9;
	v12 =	vld [tilespmem:s21+$0x0];
	v1 =	vmul.f32 $2.500000000e-01, v1  }
0x4e: {  	s30 =	sor.u32 s4, s3;
	s22 =	sor.u32 $0x4000, s5;
	v2 =	vld [tilespmem:s25+$0x0]  }
0x4f: {  	s7 =	sor.u32 $0x4080, s5;
	s24 =	sor.u32 s2, s22;
	v5 =	vld [tilespmem:s30+$0x0];
	v3 =	vadd.f32 v4, v3;
	v4 =	vadd.f32 v8, v6;
	[tilespmem:s17+$0x10180] =	vst v1  }
0x50: {  	v0 =	vadd.f32 v61, v0;
	s25 =	sor.u32 s2, s7;
	v1 =	vadd.f32 v62, v7;
	s17 =	sor.u32 $0x4100, s5;
	v7 =	vld [tilespmem:s24+$0x0]  }
0x51: {  	v16 =	vld [tilespmem:s25+$0x0];
	s24 =	sor.u32 $0x4180, s5;
	s30 =	sor.u32 s2, s17;
	v3 =	vadd.f32 v4, v3  }
0x52: {  	v0 =	vadd.f32 v1, v0;
	v1 =	vld [tilespmem:s30+$0x0];
	s31 =	sor.u32 s2, s24  }
0x53: {  	v17 =	vld [tilespmem:s31+$0x0];
	v3 =	vmul.f32 $2.500000000e-01, v3  }
0x54: {  	v0 =	vmul.f32 $2.500000000e-01, v0  }
0x55: {  	s25 =	sor.u32 s28, s9;
	v2 =	vadd.f32 v5, v2;
	v5 =	vadd.f32 v12, v63;
	s9 =	sor.u32 s23, s9;
	[tilespmem:s13+$0x10100] =	vst v3  }
0x56: {  	[tilespmem:s12+$0x10100] =	vst v0;
	v3 =	vld [tilespmem:s9+$0x0]  }
0x57: {  	s30 =	sor.u32 s28, s3;
	v2 =	vadd.f32 v5, v2;
	v0 =	vld [tilespmem:s25+$0x0]  }
0x58: {  	s31 =	sor.u32 s28, s18;
	v7 =	vadd.f32 v16, v7;
	v4 =	vld [tilespmem:s30+$0x0];
	v1 =	vadd.f32 v17, v1  }
0x59: {  	v6 =	vld [tilespmem:s31+$0x0];
	s25 =	sor.u32 s28, s19  }
0x5a: {  	s3 =	sor.u32 s23, s3;
	v2 =	vmul.f32 $2.500000000e-01, v2;
	v8 =	vld [tilespmem:s25+$0x0];
	v1 =	vadd.f32 v1, v7  }
0x5b: {  	v5 =	vld [tilespmem:s3+$0x0];
	s31 =	sor.u32 s23, s19  }
0x5c: {  	s9 =	sor.u32 s4, s22;
	[tilespmem:s15+$0x10180] =	vst v2;
	v2 =	vld [tilespmem:s31+$0x0];
	v1 =	vmul.f32 $2.500000000e-01, v1  }
0x5d: {  	s30 =	sor.u32 s23, s18;
	s18 =	sor.u32 $0x4200, s5;
	v18 =	vld [tilespmem:s9+$0x0]  }
0x5e: {  	s19 =	sor.u32 $0x4280, s5;
	s15 =	sor.u32 s2, s18;
	v7 =	vld [tilespmem:s30+$0x0];
	[tilespmem:s16+$0x10000] =	vst v1  }
0x5f: {  	s21 =	sor.u32 $0x4300, s5;
	v0 =	vadd.f32 v4, v0;
	v4 =	vadd.f32 v8, v6;
	s16 =	sor.u32 s2, s19;
	v1 =	vld [tilespmem:s15+$0x0]  }
0x60: {  	s3 =	sor.u32 $0x4380, s5;
	s25 =	sor.u32 s2, s21;
	v6 =	vld [tilespmem:s16+$0x0]  }
0x61: {  	s30 =	sor.u32 s2, s3;
	v8 =	vld [tilespmem:s25+$0x0];
	v0 =	vadd.f32 v4, v0  }
0x62: {  	s31 =	sor.u32 s4, s7;
	v4 =	vld [tilespmem:s30+$0x0]  }
0x63: {  	v19 =	vld [tilespmem:s31+$0x0];
	v3 =	vadd.f32 v5, v3;
	v2 =	vadd.f32 v2, v7;
	s15 =	sor.u32 s4, s17;
	v0 =	vmul.f32 $2.500000000e-01, v0  }
0x64: {  	s16 =	sor.u32 s4, s24;
	v5 =	vld [tilespmem:s15+$0x0]  }
0x65: {  	s25 =	sor.u32 s28, s22;
	v2 =	vadd.f32 v2, v3;
	[tilespmem:s12+$0x10180] =	vst v0;
	v0 =	vld [tilespmem:s16+$0x0]  }
0x66: {  	s30 =	sor.u32 s28, s7;
	v3 =	vld [tilespmem:s25+$0x0]  }
0x67: {  	s31 =	sor.u32 s28, s17;
	v2 =	vmul.f32 $2.500000000e-01, v2;
	v7 =	vld [tilespmem:s30+$0x0];
	v1 =	vadd.f32 v6, v1;
	v4 =	vadd.f32 v4, v8  }
0x68: {  	s12 =	sor.u32 s28, s24;
	v6 =	vld [tilespmem:s31+$0x0]  }
0x69: {  	[tilespmem:s13+$0x10180] =	vst v2;
	v2 =	vld [tilespmem:s12+$0x0];
	s13 =	sor.u32 s23, s22;
	v1 =	vadd.f32 v4, v1  }
0x6a: {  	s7 =	sor.u32 s23, s7;
	v4 =	vld [tilespmem:s13+$0x0]  }
0x6b: {  	v9 =	vadd.f32 v19, v18;
	s16 =	sor.u32 s23, s24;
	v8 =	vld [tilespmem:s7+$0x0];
	v0 =	vadd.f32 v0, v5;
	v1 =	vmul.f32 $2.500000000e-01, v1  }
0x6c: {  	s15 =	sor.u32 s23, s17;
	s17 =	sor.u32 $0x6000, s5;
	v20 =	vld [tilespmem:s16+$0x0]  }
0x6d: {  	s22 =	sor.u32 s2, s17;
	v5 =	vld [tilespmem:s15+$0x0];
	s15 =	sor.u32 $0x6080, s5;
	v0 =	vadd.f32 v0, v9;
	[tilespmem:s1+$0x10000] =	vst v1  }
0x6e: {  	s16 =	sor.u32 $0x6100, s5;
	s24 =	sor.u32 s2, s15;
	v1 =	vld [tilespmem:s22+$0x0]  }
0x6f: {  	s25 =	sor.u32 s2, s16;
	v3 =	vadd.f32 v7, v3;
	v2 =	vadd.f32 v2, v6;
	v21 =	vld [tilespmem:s24+$0x0];
	s22 =	sor.u32 $0x6180, s5;
	v0 =	vmul.f32 $2.500000000e-01, v0  }
0x70: {  	v6 =	vld [tilespmem:s25+$0x0];
	s30 =	sor.u32 s2, s22  }
0x71: {  	s31 =	sor.u32 s4, s18;
	v2 =	vadd.f32 v2, v3;
	[tilespmem:s8+$0x10000] =	vst v0;
	v0 =	vld [tilespmem:s30+$0x0]  }
0x72: {  	s7 =	sor.u32 s4, s19;
	v4 =	vadd.f32 v8, v4;
	v5 =	vadd.f32 v20, v5;
	v3 =	vld [tilespmem:s31+$0x0]  }
0x73: {  	v2 =	vmul.f32 $2.500000000e-01, v2;
	s8 =	sor.u32 s4, s21;
	v7 =	vld [tilespmem:s7+$0x0]  }
0x74: {  	s9 =	sor.u32 s4, s3;
	v8 =	vld [tilespmem:s8+$0x0];
	v4 =	vadd.f32 v5, v4  }
0x75: {  	[tilespmem:s11+$0x10000] =	vst v2;
	v2 =	vld [tilespmem:s9+$0x0];
	s11 =	sor.u32 s28, s18  }
0x76: {  	s13 =	sor.u32 s28, s21;
	v5 =	vld [tilespmem:s11+$0x0];
	v4 =	vmul.f32 $2.500000000e-01, v4  }
0x77: {  	s12 =	sor.u32 s28, s19;
	v1 =	vadd.f32 v21, v1;
	v22 =	vld [tilespmem:s13+$0x0];
	v0 =	vadd.f32 v0, v6  }
0x78: {  	s25 =	sor.u32 s23, s18;
	v6 =	vld [tilespmem:s12+$0x0];
	[tilespmem:s14+$0x10000] =	vst v4  }
0x79: {  	s24 =	sor.u32 s28, s3;
	v4 =	vld [tilespmem:s25+$0x0];
	v0 =	vadd.f32 v0, v1  }
0x7a: {  	s30 =	sor.u32 s23, s19;
	v1 =	vld [tilespmem:s24+$0x0]  }
0x7b: {  	s9 =	sor.u32 s23, s3;
	v3 =	vadd.f32 v7, v3;
	v7 =	vld [tilespmem:s30+$0x0];
	v2 =	vadd.f32 v2, v8;
	v0 =	vmul.f32 $2.500000000e-01, v0  }
0x7c: {  	s31 =	sor.u32 s23, s21;
	s12 =	sor.u32 $0x6200, s5;
	v23 =	vld [tilespmem:s9+$0x0]  }
0x7d: {  	s8 =	sor.u32 s2, s12;
	v8 =	vld [tilespmem:s31+$0x0];
	s24 =	sor.u32 $0x6280, s5;
	v2 =	vadd.f32 v2, v3;
	[tilespmem:s0+$0x10000] =	vst v0  }
0x7e: {  	s25 =	sor.u32 $0x6300, s5;
	s11 =	sor.u32 s2, s24;
	v0 =	vld [tilespmem:s8+$0x0]  }
0x7f: {  	s9 =	sor.u32 $0x6380, s5;
	s13 =	sor.u32 s2, s25;
	v3 =	vadd.f32 v6, v5;
	v5 =	vmul.f32 $2.500000000e-01, v2;
	v6 =	vadd.f32 v1, v22;
	v1 =	vld [tilespmem:s11+$0x0]  }
0x80: {  	s14 =	sor.u32 s2, s9;
	v2 =	vld [tilespmem:s13+$0x0]  }
0x81: {  	s18 =	sor.u32 s4, s17;
	[tilespmem:s29+$0x10000] =	vst v5;
	v5 =	vadd.f32 v6, v3;
	v3 =	vld [tilespmem:s14+$0x0]  }
0x82: {  	s19 =	sor.u32 s4, s15;
	v6 =	vld [tilespmem:s18+$0x0]  }
0x83: {  	s21 =	sor.u32 s4, s16;
	v4 =	vadd.f32 v7, v4;
	v8 =	vadd.f32 v23, v8;
	v7 =	vld [tilespmem:s19+$0x0];
	v5 =	vmul.f32 $2.500000000e-01, v5  }
0x84: {  	s29 =	sor.u32 s4, s22;
	v24 =	vld [tilespmem:s21+$0x0]  }
0x85: {  	s30 =	sor.u32 s28, s17;
	v4 =	vadd.f32 v8, v4;
	[tilespmem:s26+$0x10000] =	vst v5;
	v5 =	vld [tilespmem:s29+$0x0]  }
0x86: {  	s31 =	sor.u32 s28, s15;
	v8 =	vld [tilespmem:s30+$0x0]  }
0x87: {  	s2 =	sor.u32 s28, s16;
	v4 =	vmul.f32 $2.500000000e-01, v4;
	v13 =	vld [tilespmem:s31+$0x0]  }
0x88: {  	s3 =	sor.u32 s28, s22;
	v14 =	vld [tilespmem:s2+$0x0]  }
0x89: {  	s5 =	sor.u32 s23, s17;
	[tilespmem:s10+$0x10000] =	vst v4;
	v15 =	vld [tilespmem:s3+$0x0];
	s3 =	simm.s32 $0x40  }
0x8a: {  	s7 =	sor.u32 s23, s15;
	v9 =	vld [tilespmem:s5+$0x0];
	s30 =	simm.s32 $0x200;
	s21 =	sand.u32 $0x40, s3  }
0x8b: {  	s8 =	sor.u32 s23, s16;
	v10 =	vld [tilespmem:s7+$0x0];
	s11 =	sand.u32 $0x1C00, s30;
	s17 =	sor.u32 $0x30, s21  }
0x8c: {  	v11 =	vld [tilespmem:s8+$0x0];
	s7 =	sor.u32 s11, s17  }
0x8d: {  	v4 =	vadd.f32 v7, v6;
	v7 =	vld [tilespmem:s7+$0x0]  }
0x8e: {  	v16 =	vld [tilespmem:s7+$0x80]  }
0x8f: {  	v5 =	vadd.f32 v5, v24;
	v17 =	vld [tilespmem:s7+$0x100]  }
0x90: {  	s10 =	sor.u32 s23, s22;
	s5 =	sor.u32 $0x10, s21;
	v18 =	vld [tilespmem:s7+$0x180]  }
0x91: {  	v12 =	vld [tilespmem:s10+$0x0];
	s8 =	sor.u32 s11, s5;
	v4 =	vadd.f32 v5, v4  }
0x92: {  	v19 =	vld [tilespmem:s8+$0x0]  }
0x93: {  	v26 =	vld [tilespmem:s8+$0x80];
	v4 =	vmul.f32 $2.500000000e-01, v4  }
0x94: {  	v27 =	vld [tilespmem:s8+$0x100]  }
0x95: {  	s13 =	sor.u32 s4, s12;
	v28 =	vld [tilespmem:s8+$0x180];
	v7 =	vadd.f32 v16, v7;
	v25 =	vadd.f32 v18, v17;
	[tilespmem:s6+$0x10000] =	vst v4  }
0x96: {  	p0 =	por !p0, !p0;
	s0 =	simm.s32 $0x1;
	s14 =	sor.u32 s4, s24;
	v4 =	vld [tilespmem:s13+$0x0]  }
0x97: {  	s15 =	sor.u32 s4, s25;
	s0 =	simm.s32 @!p0 $0x0;
	s6 =	sor.u32 $0x20, s21;
	v5 =	vld [tilespmem:s14+$0x0];
	v7 =	vadd.f32 v25, v7  }
0x98: {  	s0 =	sshll.u32 s0, $0x6;
	v6 =	vld [tilespmem:s15+$0x0];
	s18 =	sor.u32 s11, s6  }
0x99: {  	s0 =	sadd.s32 $0x200, s0;
	v20 =	vld [tilespmem:s18+$0x0];
	v7 =	vmul.f32 $2.500000000e-01, v7  }
0x9a: {  	s16 =	sadd.s32 $0x30, s0;
	v21 =	vld [tilespmem:s18+$0x80]  }
0x9b: {  	s22 =	sor.u32 $0x200, s16;
	v22 =	vld [tilespmem:s18+$0x100];
	[tilespmem:s7+$0x10000] =	vst v7  }
0x9c: {  	s19 =	sor.u32 $0x300, s16;
	s14 =	sor.u32 $0x280, s16;
	v7 =	vld [tilespmem:s22+$0x0]  }
0x9d: {  	s1 =	sor.u32 $0x380, s16;
	v17 =	vadd.f32 v26, v19;
	v16 =	vadd.f32 v28, v27;
	v29 =	vld [tilespmem:s14+$0x0];
	[smem:$0x7F2] =	sst s19  }
0x9e: {  	v30 =	vld [tilespmem:s19+$0x0];
	[smem:$0x7F7] =	sst s1  }
0x9f: {  	v16 =	vadd.f32 v16, v17;
	v31 =	vld [tilespmem:s1+$0x0]  }
0xa0: {  	s19 =	sor.u32 s21, s11;
	v23 =	vld [tilespmem:s18+$0x180]  }
0xa1: {  	v8 =	vadd.f32 v13, v8;
	v32 =	vadd.f32 v15, v14;
	v34 =	vmul.f32 $2.500000000e-01, v16;
	v33 =	vld [tilespmem:s19+$0x0]  }
0xa2: {  	s26 =	sadd.s32 $0x10, s0;
	v35 =	vld [tilespmem:s19+$0x80]  }
0xa3: {  	s29 =	sor.u32 $0x280, s26;
	v8 =	vadd.f32 v32, v8;
	s15 =	sor.u32 $0x200, s26;
	v36 =	vld [tilespmem:s19+$0x100];
	[tilespmem:s8+$0x10000] =	vst v34  }
0xa4: {  	s31 =	sor.u32 $0x300, s26;
	v15 =	vld [tilespmem:s15+$0x0];
	[smem:$0x7F3] =	sst s29;
	v7 =	vadd.f32 v29, v7;
	v17 =	vadd.f32 v31, v30  }
0xa5: {  	v37 =	vadd.f32 v21, v20;
	s1 =	sor.u32 $0x380, s26;
	v39 =	vld [tilespmem:s29+$0x0];
	[smem:$0x7F8] =	sst s31;
	v38 =	vadd.f32 v23, v22  }
0xa6: {  	v8 =	vmul.f32 $2.500000000e-01, v8;
	v40 =	vld [tilespmem:s31+$0x0];
	[dreg:$0x7] =	wrdreg s1;
	v7 =	vadd.f32 v17, v7  }
0xa7: {  	v42 =	vld [tilespmem:s1+$0x0];
	v41 =	vadd.f32 v38, v37  }
0xa8: {  	s2 =	sor.u32 s4, s9;
	s4 =	sor.u32 s28, s12;
	v43 =	vld [tilespmem:s19+$0x180];
	[tilespmem:s20+$0x10000] =	vst v8;
	v44 =	vmul.f32 $2.500000000e-01, v7  }
0xa9: {  	s10 =	sor.u32 $0x2000, s11;
	v8 =	vld [tilespmem:s4+$0x0];
	v17 =	vmul.f32 $2.500000000e-01, v41  }
0xaa: {  	s13 =	sadd.s32 $0x20, s0;
	s16 =	sor.u32 s17, s10;
	v7 =	vld [tilespmem:s2+$0x0];
	[tilespmem:s7+$0x10080] =	vst v44  }
0xab: {  	s26 =	sor.u32 $0x280, s13;
	[tilespmem:s18+$0x10000] =	vst v17;
	v22 =	vld [tilespmem:s16+$0x0]  }
0xac: {  	s20 =	sor.u32 $0x300, s13;
	v15 =	vadd.f32 v39, v15;
	v18 =	vadd.f32 v42, v40;
	s16 =	sor.u32 $0x200, s13;
	v45 =	vld [tilespmem:s26+$0x0]  }
0xad: {  	s1 =	sor.u32 $0x380, s13;
	v14 =	vadd.f32 v35, v33;
	v13 =	vadd.f32 v43, v36;
	v17 =	vld [tilespmem:s16+$0x0];
	[dreg:$0xd] =	wrdreg s20  }
0xae: {  	s4 =	sor.u32 $0x2080, s11;
	v15 =	vadd.f32 v18, v15;
	v46 =	vld [tilespmem:s20+$0x0];
	[dreg:$0x9] =	wrdreg s1  }
0xaf: {  	s29 =	sor.u32 s17, s4;
	s2 =	sor.u32 $0x2100, s11;
	v13 =	vadd.f32 v13, v14;
	v47 =	vld [tilespmem:s1+$0x0]  }
0xb0: {  	s31 =	sor.u32 s17, s2;
	v15 =	vmul.f32 $2.500000000e-01, v15;
	v48 =	vld [tilespmem:s29+$0x0];
	s1 =	sor.u32 $0x2180, s11  }
0xb1: {  	v13 =	vmul.f32 $2.500000000e-01, v13;
	v49 =	vld [tilespmem:s31+$0x0];
	s20 =	sor.u32 s17, s1  }
0xb2: {  	[tilespmem:s8+$0x10080] =	vst v15;
	s29 =	sor.u32 s5, s10;
	v50 =	vld [tilespmem:s20+$0x0]  }
0xb3: {  	s3 =	sor.u32 s30, s3;
	[tilespmem:s19+$0x10000] =	vst v13;
	s31 =	simm.s32 $0x200;
	v15 =	vld [tilespmem:s29+$0x0];
	s20 =	sor.u32 $0x200, s0  }
0xb4: {  	s29 =	sor.u32 $0x280, s0;
	s0 =	sor.u32 $0x300, s0;
	v51 =	vadd.f32 v45, v17;
	v52 =	vld [tilespmem:s20+$0x0];
	[dreg:$0x5] =	wrdreg s31;
	v14 =	vadd.f32 v47, v46  }
0xb5: {  	s3 =	sor.u32 $0x380, s3;
	v53 =	vld [tilespmem:s29+$0x0];
	[dreg:$0xf] =	wrdreg s0  }
0xb6: {  	v54 =	vld [tilespmem:s0+$0x0];
	[dreg:$0xb] =	wrdreg s3;
	v13 =	vadd.f32 v14, v51  }
0xb7: {  	s13 =	sor.u32 s5, s4;
	v18 =	vadd.f32 v48, v22;
	v55 =	vld [tilespmem:s3+$0x0];
	v20 =	vadd.f32 v50, v49  }
0xb8: {  	s30 =	sor.u32 s5, s2;
	v56 =	vld [tilespmem:s13+$0x0];
	v13 =	vmul.f32 $2.500000000e-01, v13  }
0xb9: {  	s31 =	sor.u32 s5, s1;
	v57 =	vld [tilespmem:s30+$0x0];
	v18 =	vadd.f32 v20, v18  }
0xba: {  	v58 =	vld [tilespmem:s31+$0x0];
	s3 =	sor.u32 s6, s10;
	[tilespmem:s18+$0x10080] =	vst v13  }
0xbb: {  	s13 =	sor.u32 s6, s4;
	v18 =	vmul.f32 $2.500000000e-01, v18;
	v13 =	vld [tilespmem:s3+$0x0]  }
0xbc: {  	s0 =	sor.u32 $0x2200, s11;
	s30 =	sor.u32 s6, s2;
	v16 =	vadd.f32 v53, v52;
	v14 =	vadd.f32 v55, v54;
	v59 =	vld [tilespmem:s13+$0x0]  }
0xbd: {  	s31 =	sor.u32 s17, s0;
	v60 =	vld [tilespmem:s30+$0x0];
	s13 =	sor.u32 $0x2280, s11;
	[tilespmem:s7+$0x10100] =	vst v18  }
0xbe: {  	v14 =	vadd.f32 v14, v16;
	s30 =	sor.u32 s17, s13;
	v18 =	vld [tilespmem:s31+$0x0];
	s31 =	sor.u32 $0x2300, s11  }
0xbf: {  	s3 =	sor.u32 $0x2380, s11;
	v61 =	vld [tilespmem:s30+$0x0];
	s30 =	sor.u32 s17, s31  }
0xc0: {  	v15 =	vadd.f32 v56, v15;
	v20 =	vadd.f32 v58, v57;
	v14 =	vmul.f32 $2.500000000e-01, v14;
	v62 =	vld [tilespmem:s30+$0x0];
	s30 =	sor.u32 s17, s3  }
0xc1: {  	v63 =	vld [tilespmem:s30+$0x0];
	s30 =	sor.u32 s6, s1  }
0xc2: {  	s10 =	sor.u32 s21, s10;
	v29 =	vadd.f32 v20, v15;
	[tilespmem:s19+$0x10080] =	vst v14;
	v28 =	vld [tilespmem:s30+$0x0]  }
0xc3: {  	s4 =	sor.u32 s21, s4;
	v30 =	vld [tilespmem:s10+$0x0]  }
0xc4: {  	s2 =	sor.u32 s21, s2;
	v14 =	vmul.f32 $2.500000000e-01, v29;
	v31 =	vld [tilespmem:s4+$0x0]  }
0xc5: {  	s1 =	sor.u32 s21, s1;
	v24 =	vld [tilespmem:s2+$0x0]  }
0xc6: {  	v25 =	vld [tilespmem:s1+$0x0];
	s10 =	sor.u32 s5, s0;
	[tilespmem:s8+$0x10100] =	vst v14  }
0xc7: {  	s30 =	sor.u32 s5, s13;
	v34 =	vld [tilespmem:s10+$0x0]  }
0xc8: {  	s2 =	sor.u32 s5, s31;
	v35 =	vld [tilespmem:s30+$0x0]  }
0xc9: {  	s4 =	sor.u32 s5, s3;
	v36 =	vld [tilespmem:s2+$0x0]  }
0xca: {  	v37 =	vld [tilespmem:s4+$0x0]  }
0xcb: {  	v32 =	vadd.f32 v61, v18;
	v33 =	vadd.f32 v63, v62  }
0xcc: {  	v15 =	vadd.f32 v31, v30;
	v40 =	vadd.f32 v25, v24  }
0xcd: {  	v14 =	vadd.f32 v33, v32  }
0xce: {  	v15 =	vadd.f32 v40, v15  }
0xcf: {  	s10 =	sor.u32 s28, s24;
	v18 =	vadd.f32 v35, v34;
	v16 =	vadd.f32 v37, v36;
	v14 =	vmul.f32 $2.500000000e-01, v14  }
0xd0: {  	v23 =	vadd.f32 v59, v13;
	s30 =	sor.u32 s28, s25;
	v13 =	vld [tilespmem:s10+$0x0];
	s10 =	sor.u32 $0x4000, s11;
	v17 =	vadd.f32 v28, v60  }
0xd1: {  	s4 =	sor.u32 $0x4080, s11;
	s2 =	sor.u32 s17, s10;
	v15 =	vmul.f32 $2.500000000e-01, v15;
	v46 =	vadd.f32 v16, v18;
	[tilespmem:s7+$0x10180] =	vst v14;
	v14 =	vld [tilespmem:s30+$0x0]  }
0xd2: {  	v17 =	vadd.f32 v17, v23;
	s7 =	sor.u32 s17, s4;
	v38 =	vld [tilespmem:s2+$0x0];
	s2 =	sor.u32 $0x4100, s11  }
0xd3: {  	s1 =	sor.u32 $0x4180, s11;
	v39 =	vld [tilespmem:s7+$0x0];
	[tilespmem:s19+$0x10100] =	vst v15;
	v15 =	vmul.f32 $2.500000000e-01, v46;
	s30 =	sor.u32 s17, s2  }
0xd4: {  	v17 =	vmul.f32 $2.500000000e-01, v17;
	v41 =	vld [tilespmem:s30+$0x0];
	s30 =	sor.u32 s17, s1  }
0xd5: {  	s7 =	sor.u32 s5, s4;
	[tilespmem:s8+$0x10180] =	vst v15;
	v42 =	vld [tilespmem:s30+$0x0]  }
0xd6: {  	[tilespmem:s18+$0x10100] =	vst v17;
	s30 =	sor.u32 s6, s0;
	v54 =	vld [tilespmem:s7+$0x0]  }
0xd7: {  	v17 =	vld [tilespmem:s30+$0x0];
	s30 =	sor.u32 s6, s13  }
0xd8: {  	v43 =	vld [tilespmem:s30+$0x0];
	s30 =	sor.u32 s6, s31  }
0xd9: {  	v44 =	vld [tilespmem:s30+$0x0];
	s30 =	sor.u32 s6, s3  }
0xda: {  	s0 =	sor.u32 s21, s0;
	v48 =	vadd.f32 v39, v38;
	v45 =	vld [tilespmem:s30+$0x0];
	v49 =	vadd.f32 v42, v41  }
0xdb: {  	v47 =	vld [tilespmem:s0+$0x0];
	s13 =	sor.u32 s21, s13  }
0xdc: {  	v50 =	vld [tilespmem:s13+$0x0];
	s30 =	sor.u32 s21, s31;
	v18 =	vadd.f32 v49, v48  }
0xdd: {  	s31 =	sor.u32 s21, s3;
	v51 =	vld [tilespmem:s30+$0x0]  }
0xde: {  	s8 =	sor.u32 s5, s2;
	v52 =	vld [tilespmem:s31+$0x0];
	v18 =	vmul.f32 $2.500000000e-01, v18  }
0xdf: {  	v55 =	vld [tilespmem:s8+$0x0];
	s3 =	sor.u32 s5, s10;
	s31 =	sor.u32 $0x4200, s11;
	v17 =	vadd.f32 v43, v17;
	v19 =	vadd.f32 v45, v44  }
0xe0: {  	v53 =	vld [tilespmem:s3+$0x0];
	s3 =	sor.u32 $0x4280, s11;
	s13 =	sor.u32 s17, s31;
	[tilespmem:s22+$0x10000] =	vst v18  }
0xe1: {  	s7 =	sor.u32 $0x4300, s11;
	v17 =	vadd.f32 v19, v17;
	s22 =	sor.u32 s17, s3;
	v18 =	vld [tilespmem:s13+$0x0]  }
0xe2: {  	s30 =	sor.u32 s17, s7;
	v56 =	vld [tilespmem:s22+$0x0];
	s22 =	sor.u32 $0x4380, s11  }
0xe3: {  	v16 =	vadd.f32 v50, v47;
	v15 =	vadd.f32 v52, v51;
	v57 =	vld [tilespmem:s30+$0x0];
	v17 =	vmul.f32 $2.500000000e-01, v17;
	s8 =	sor.u32 s17, s22  }
0xe4: {  	s13 =	sor.u32 s5, s1;
	v58 =	vld [tilespmem:s8+$0x0]  }
0xe5: {  	v15 =	vadd.f32 v15, v16;
	s30 =	sor.u32 s6, s10;
	v59 =	vld [tilespmem:s13+$0x0];
	[tilespmem:s18+$0x10180] =	vst v17  }
0xe6: {  	s8 =	sor.u32 s6, s4;
	v60 =	vld [tilespmem:s30+$0x0]  }
0xe7: {  	s13 =	sor.u32 s6, s2;
	v15 =	vmul.f32 $2.500000000e-01, v15;
	v61 =	vld [tilespmem:s8+$0x0]  }
0xe8: {  	v9 =	vadd.f32 v10, v9;
	v62 =	vadd.f32 v12, v11;
	s18 =	sor.u32 s6, s1;
	v26 =	vld [tilespmem:s13+$0x0]  }
0xe9: {  	[tilespmem:s19+$0x10180] =	vst v15;
	v63 =	vld [tilespmem:s18+$0x0];
	s30 =	sor.u32 s21, s10;
	v27 =	vadd.f32 v56, v18;
	v28 =	vadd.f32 v58, v57  }
0xea: {  	v9 =	vadd.f32 v62, v9;
	s4 =	sor.u32 s21, s4;
	v29 =	vld [tilespmem:s30+$0x0]  }
0xeb: {  	s8 =	sor.u32 s21, s2;
	v30 =	vld [tilespmem:s4+$0x0];
	s18 =	sld [smem:$0x7F1];
	v12 =	vadd.f32 v28, v27  }
0xec: {  	v9 =	vmul.f32 $2.500000000e-01, v9;
	s10 =	sor.u32 s21, s1;
	v31 =	vld [tilespmem:s8+$0x0]  }
0xed: {  	v33 =	vadd.f32 v54, v53;
	s13 =	sor.u32 s28, s9;
	v32 =	vld [tilespmem:s10+$0x0];
	v17 =	vadd.f32 v59, v55;
	v12 =	vmul.f32 $2.500000000e-01, v12  }
0xee: {  	s19 =	sor.u32 s23, s12;
	v34 =	vld [tilespmem:s13+$0x0];
	[tilespmem:s18+$0x10000] =	vst v9;
	s18 =	sor.u32 $0x6000, s11  }
0xef: {  	s10 =	sor.u32 $0x6080, s11;
	v35 =	vadd.f32 v17, v33;
	v9 =	vld [tilespmem:s19+$0x0];
	s28 =	sor.u32 s17, s18;
	[tilespmem:s14+$0x10000] =	vst v12  }
0xf0: {  	s12 =	sor.u32 $0x6100, s11;
	s30 =	sor.u32 s17, s10;
	v36 =	vld [tilespmem:s28+$0x0]  }
0xf1: {  	s1 =	sor.u32 s17, s12;
	v16 =	vadd.f32 v61, v60;
	v11 =	vadd.f32 v63, v26;
	v12 =	vmul.f32 $2.500000000e-01, v35;
	s14 =	sor.u32 $0x6180, s11;
	v37 =	vld [tilespmem:s30+$0x0]  }
0xf2: {  	v38 =	vld [tilespmem:s1+$0x0];
	s2 =	sor.u32 s17, s14  }
0xf3: {  	s4 =	sor.u32 s5, s31;
	v11 =	vadd.f32 v11, v16;
	[tilespmem:s15+$0x10000] =	vst v12;
	v39 =	vld [tilespmem:s2+$0x0]  }
0xf4: {  	s8 =	sor.u32 s5, s3;
	v40 =	vld [tilespmem:s4+$0x0]  }
0xf5: {  	s13 =	sor.u32 s5, s7;
	v11 =	vmul.f32 $2.500000000e-01, v11;
	v41 =	vld [tilespmem:s8+$0x0]  }
0xf6: {  	v10 =	vadd.f32 v30, v29;
	v15 =	vadd.f32 v32, v31;
	s15 =	sor.u32 s5, s22;
	v42 =	vld [tilespmem:s13+$0x0]  }
0xf7: {  	s19 =	sor.u32 s6, s31;
	[tilespmem:s16+$0x10000] =	vst v11;
	v43 =	vld [tilespmem:s15+$0x0]  }
0xf8: {  	v10 =	vadd.f32 v15, v10;
	s28 =	sor.u32 s6, s3;
	v44 =	vld [tilespmem:s19+$0x0]  }
0xf9: {  	s30 =	sor.u32 s6, s7;
	v45 =	vld [tilespmem:s28+$0x0]  }
0xfa: {  	v10 =	vmul.f32 $2.500000000e-01, v10;
	s1 =	sor.u32 s6, s22;
	v46 =	vld [tilespmem:s30+$0x0];
	v17 =	vadd.f32 v37, v36;
	v12 =	vadd.f32 v39, v38  }
0xfb: {  	v47 =	vld [tilespmem:s1+$0x0]  }
0xfc: {  	[tilespmem:s20+$0x10000] =	vst v10;
	v12 =	vadd.f32 v12, v17  }
0xfd: {  	s4 =	sor.u32 s21, s7;
	s7 =	sld [smem:$0x7F2]  }
0xfe: {  	s2 =	sor.u32 s21, s31;
	v16 =	vadd.f32 v41, v40;
	v11 =	vadd.f32 v43, v42;
	v12 =	vmul.f32 $2.500000000e-01, v12  }
0xff: {  	s3 =	sor.u32 s21, s3;
	v48 =	vld [tilespmem:s2+$0x0];
	v15 =	vadd.f32 v45, v44  }
0x100: {  	v49 =	vld [tilespmem:s3+$0x0];
	v10 =	vadd.f32 v47, v46;
	v11 =	vadd.f32 v11, v16;
	[tilespmem:s7+$0x10000] =	vst v12  }
0x101: {  	s20 =	sor.u32 s21, s22;
	v50 =	vld [tilespmem:s4+$0x0];
	s22 =	sld [smem:$0x7F3]  }
0x102: {  	v54 =	vld [tilespmem:s20+$0x0];
	v10 =	vadd.f32 v10, v15;
	v11 =	vmul.f32 $2.500000000e-01, v11;
	_ =	sdelay $0x1  }
0x103: {  	v0 =	vadd.f32 v1, v0;
	v1 =	vadd.f32 v3, v2;
	s31 =	sor.u32 s5, s12;
	v2 =	vmul.f32 $2.500000000e-01, v10;
	[tilespmem:s22+$0x10000] =	vst v11  }
0x104: {  	s3 =	sor.u32 s5, s14;
	v3 =	vld [tilespmem:s31+$0x0]  }
0x105: {  	[tilespmem:s26+$0x10000] =	vst v2;
	v2 =	vld [tilespmem:s3+$0x0]  }
0x106: {  	v57 =	vadd.f32 v49, v48;
	v11 =	vadd.f32 v54, v50  }
0x107: {  	v0 =	vadd.f32 v1, v0;
	s0 =	sor.u32 $0x6200, s11  }
0x108: {  	s15 =	sor.u32 $0x6280, s11;
	s8 =	sor.u32 s17, s0;
	s22 =	sld [smem:$0x7F4];
	v1 =	vadd.f32 v11, v57  }
0x109: {  	v0 =	vmul.f32 $2.500000000e-01, v0;
	v4 =	vadd.f32 v5, v4;
	s1 =	sor.u32 $0x6300, s11;
	s13 =	sor.u32 s17, s15;
	v12 =	vld [tilespmem:s8+$0x0]  }
0x10a: {  	v5 =	vadd.f32 v7, v6;
	s11 =	sor.u32 $0x6380, s11;
	s16 =	sor.u32 s17, s1;
	v51 =	vld [tilespmem:s13+$0x0];
	v3 =	vadd.f32 v2, v3;
	v2 =	vmul.f32 $2.500000000e-01, v1  }
0x10b: {  	s19 =	sor.u32 s17, s11;
	v52 =	vld [tilespmem:s16+$0x0];
	[tilespmem:s22+$0x10000] =	vst v0  }
0x10c: {  	v4 =	vadd.f32 v5, v4;
	s28 =	sor.u32 s5, s18;
	v53 =	vld [tilespmem:s19+$0x0];
	[tilespmem:s29+$0x10000] =	vst v2  }
0x10d: {  	v55 =	vld [tilespmem:s28+$0x0];
	s28 =	sld [smem:$0x7F5]  }
0x10e: {  	v4 =	vmul.f32 $2.500000000e-01, v4;
	v6 =	vadd.f32 v13, v8;
	v7 =	vadd.f32 v34, v14;
	_ =	sdelay $0x1  }
0x10f: {  	v5 =	vadd.f32 v7, v6;
	s30 =	sor.u32 s5, s10;
	[tilespmem:s28+$0x10000] =	vst v4  }
0x110: {  	s4 =	sor.u32 s6, s18;
	v56 =	vld [tilespmem:s30+$0x0];
	s29 =	sld [smem:$0x7F6]  }
0x111: {  	v5 =	vmul.f32 $2.500000000e-01, v5;
	s7 =	sor.u32 s6, s10;
	v8 =	vld [tilespmem:s4+$0x0];
	v7 =	vadd.f32 v51, v12;
	v60 =	vadd.f32 v53, v52  }
0x112: {  	s8 =	sor.u32 s6, s12;
	v58 =	vld [tilespmem:s7+$0x0]  }
0x113: {  	s13 =	sor.u32 s6, s14;
	v59 =	vld [tilespmem:s8+$0x0];
	v0 =	vadd.f32 v60, v7;
	[tilespmem:s29+$0x10000] =	vst v5  }
0x114: {  	s16 =	sor.u32 s23, s24;
	v6 =	vld [tilespmem:s13+$0x0];
	s30 =	sld [smem:$0x7F7]  }
0x115: {  	s17 =	sor.u32 s23, s25;
	s25 =	sor.u32 s21, s12;
	s20 =	sor.u32 s21, s0;
	v61 =	vld [tilespmem:s16+$0x0];
	v62 =	vadd.f32 v56, v55;
	v0 =	vmul.f32 $2.500000000e-01, v0  }
0x116: {  	s2 =	sor.u32 s5, s1;
	s19 =	sor.u32 s23, s9;
	s23 =	sor.u32 s21, s18;
	v1 =	vld [tilespmem:s17+$0x0]  }
0x117: {  	s24 =	sor.u32 s21, s10;
	s26 =	sor.u32 s21, s14;
	s12 =	sor.u32 s21, s15;
	v2 =	vld [tilespmem:s19+$0x0];
	v7 =	vadd.f32 v3, v62;
	[tilespmem:s30+$0x10000] =	vst v0  }
0x118: {  	s10 =	sor.u32 s5, s11;
	s9 =	simm.s32 $0x4;
	v3 =	vld [tilespmem:s23+$0x0];
	s31 =	sld [smem:$0x7F8]  }
0x119: {  	s13 =	sor.u32 s21, s11;
	s4 =	sor.u32 s5, s15;
	s7 =	sor.u32 s6, s1;
	v8 =	vadd.f32 v58, v8;
	v63 =	vadd.f32 v6, v59;
	v6 =	vld [tilespmem:s26+$0x0];
	v7 =	vmul.f32 $2.500000000e-01, v7  }
0x11a: {  	s3 =	sor.u32 s5, s0;
	s17 =	sor.u32 s21, s1;
	s1 =	sor.u32 s6, s11;
	v4 =	vld [tilespmem:s25+$0x0]  }
0x11b: {  	s23 =	sor.u32 s6, s0;
	s0 =	simm.s32 $0x80;
	v5 =	vld [tilespmem:s24+$0x0];
	s24 =	sor.u32 s6, s15;
	v0 =	vadd.f32 v61, v9;
	[tilespmem:s31+$0x10000] =	vst v7;
	v7 =	vadd.f32 v63, v8  }
.LBB2_2:
0x11c: {  	[dreg:$0x13] =	wrdreg s0  }
0x11d: {  	s5 =	rddreg [dreg:$0x5]  }
0x11e: {  	s0 =	rddreg [dreg:$0x13]  }
0x11f: {  	v8 =	vld [tilespmem:s3+$0x0];
	s5 =	sadd.s32 $0x200, s5;
	s0 =	sand.u32 $0x40, s0  }
0x120: {  	[dreg:$0x1d] =	wrdreg s1;
	v9 =	vld [tilespmem:s4+$0x0];
	s8 =	sand.u32 $0x1C00, s5;
	s1 =	sor.u32 $0x30, s0  }
0x121: {  	v7 =	vmul.f32 $2.500000000e-01, v7;
	v2 =	vadd.f32 v2, v1;
	s22 =	sor.u32 s8, s1;
	v1 =	vld [tilespmem:s2+$0x0]  }
0x122: {  	s21 =	rddreg [dreg:$0xd];
	v3 =	vadd.f32 v5, v3;
	v5 =	vld [tilespmem:s22+$0x0]  }
0x123: {  	[tilespmem:s21+$0x10000] =	vst v7;
	v7 =	vld [tilespmem:s22+$0x80]  }
0x124: {  	s31 =	sor.u32 $0x10, s0;
	v0 =	vadd.f32 v2, v0;
	v2 =	vadd.f32 v6, v4;
	v4 =	vld [tilespmem:s22+$0x100]  }
0x125: {  	[dreg:$0x1b] =	wrdreg s20;
	s20 =	sor.u32 s8, s31;
	v6 =	vld [tilespmem:s22+$0x180]  }
0x126: {  	[smem:$0x7E3] =	sst s24;
	v29 =	vld [tilespmem:s20+$0x100]  }
0x127: {  	s24 =	rddreg [dreg:$0x3];
	v10 =	vld [tilespmem:s20+$0x180];
	v0 =	vmul.f32 $2.500000000e-01, v0  }
0x128: {  	s19 =	rddreg [dreg:$0x13];
	s30 =	sor.u32 $0x20, s0;
	v3 =	vadd.f32 v2, v3;
	v2 =	vadd.f32 v9, v8;
	v8 =	vld [tilespmem:s20+$0x80]  }
0x129: {  	s2 =	sor.u32 s5, s19;
	s16 =	sor.u32 s8, s30;
	[tilespmem:s24+$0x10000] =	vst v0;
	v0 =	vld [tilespmem:s20+$0x0]  }
0x12a: {  	s28 =	rddreg [dreg:$0xf];
	s2 =	sor.u32 $0x380, s2;
	v3 =	vmul.f32 $2.500000000e-01, v3;
	v5 =	vadd.f32 v7, v5;
	v7 =	vld [tilespmem:s16+$0x100];
	v4 =	vadd.f32 v6, v4  }
0x12b: {  	p0 =	por !p0, !p0;
	s3 =	smov.u32 s2;
	s2 =	simm.s32 $0x1;
	v6 =	vld [tilespmem:s16+$0x80]  }
0x12c: {  	s2 =	simm.s32 @!p0 $0x0;
	[tilespmem:s28+$0x10000] =	vst v3;
	v3 =	vld [tilespmem:s16+$0x0];
	v4 =	vadd.f32 v4, v5  }
0x12d: {  	s11 =	sor.u32 s0, s8;
	s2 =	sshll.u32 s2, $0x6;
	v5 =	vld [tilespmem:s16+$0x180]  }
0x12e: {  	s2 =	sadd.s32 s2, s5;
	v9 =	vadd.f32 v10, v29;
	v30 =	vld [tilespmem:s11+$0x80];
	v0 =	vadd.f32 v8, v0;
	v4 =	vmul.f32 $2.500000000e-01, v4  }
0x12f: {  	s6 =	sadd.s32 $0x30, s2;
	v11 =	vld [tilespmem:s11+$0x100]  }
0x130: {  	s21 =	sor.u32 $0x200, s6;
	v8 =	vld [tilespmem:s11+$0x0];
	v0 =	vadd.f32 v9, v0;
	[tilespmem:s22+$0x10000] =	vst v4  }
0x131: {  	[dreg:$0x15] =	wrdreg s17;
	s17 =	sor.u32 $0x280, s6;
	v4 =	vld [tilespmem:s21+$0x0]  }
0x132: {  	s19 =	sor.u32 $0x300, s6;
	v3 =	vadd.f32 v6, v3;
	v5 =	vadd.f32 v5, v7;
	v6 =	vld [tilespmem:s17+$0x0];
	v0 =	vmul.f32 $2.500000000e-01, v0  }
0x133: {  	s25 =	rddreg [dreg:$0xb];
	s6 =	sor.u32 $0x380, s6;
	v7 =	vld [tilespmem:s19+$0x0]  }
0x134: {  	s26 =	smov.u32 s25;
	s29 =	sadd.s32 $0x10, s2;
	[tilespmem:s20+$0x10000] =	vst v0;
	v0 =	vadd.f32 v5, v3;
	v3 =	vld [tilespmem:s6+$0x0]  }
0x135: {  	[dreg:$0x3] =	wrdreg s26;
	s26 =	sor.u32 $0x200, s29;
	v5 =	vld [tilespmem:s11+$0x180]  }
0x136: {  	[smem:$0x7ED] =	sst s12;
	s12 =	sor.u32 $0x280, s29;
	v31 =	vld [tilespmem:s26+$0x0]  }
0x137: {  	s14 =	sor.u32 $0x300, s29;
	v32 =	vld [tilespmem:s12+$0x0];
	v0 =	vmul.f32 $2.500000000e-01, v0  }
0x138: {  	[dreg:$0x5] =	wrdreg s5;
	s5 =	sadd.s32 $0x20, s2;
	s24 =	sor.u32 $0x380, s29;
	v12 =	vld [tilespmem:s14+$0x0]  }
0x139: {  	s25 =	sor.u32 $0x200, s5;
	v4 =	vadd.f32 v6, v4;
	[tilespmem:s16+$0x10000] =	vst v0;
	v0 =	vld [tilespmem:s24+$0x0];
	v3 =	vadd.f32 v3, v7  }
0x13a: {  	s9 =	sadd.s32 $0x4, s9;
	s18 =	sor.u32 $0x280, s5;
	v8 =	vadd.f32 v30, v8;
	v6 =	vld [tilespmem:s25+$0x0]  }
0x13b: {  	[dreg:$0x11] =	wrdreg s9;
	s29 =	sor.u32 $0x380, s5;
	v5 =	vadd.f32 v5, v11;
	v7 =	vld [tilespmem:s18+$0x0];
	v3 =	vadd.f32 v3, v4  }
0x13c: {  	p1 =	slt.u32 s9, $0x3C;
	[smem:$0x7E4] =	sst s17;
	s28 =	sor.u32 $0x300, s5;
	v33 =	vld [tilespmem:s29+$0x0]  }
0x13d: {  	s15 =	sor.u32 $0x280, s2;
	[smem:$0x7E9] =	sst s19;
	s17 =	smov.u32 s7;
	v4 =	vadd.f32 v5, v8;
	v8 =	vld [tilespmem:s28+$0x0];
	v3 =	vmul.f32 $2.500000000e-01, v3  }
0x13e: {  	s19 =	sor.u32 $0x200, s2;
	s7 =	sor.u32 $0x300, s2;
	s2 =	sor.u32 $0x2000, s8;
	v35 =	vld [tilespmem:s10+$0x0];
	v5 =	vadd.f32 v32, v31;
	v34 =	vadd.f32 v0, v12  }
0x13f: {  	[smem:$0x7E5] =	sst s26;
	s5 =	sor.u32 $0x2080, s8;
	s26 =	sor.u32 s1, s2;
	v4 =	vmul.f32 $2.500000000e-01, v4;
	v0 =	vld [tilespmem:s23+$0x0];
	[tilespmem:s22+$0x10080] =	vst v3  }
0x140: {  	s9 =	sor.u32 $0x2100, s8;
	[dreg:$0xd] =	wrdreg s28;
	s28 =	sor.u32 s1, s5;
	v3 =	vadd.f32 v34, v5;
	v5 =	vld [tilespmem:s26+$0x0]  }
0x141: {  	[smem:$0x7E8] =	sst s29;
	s10 =	sor.u32 $0x2180, s8;
	s29 =	sor.u32 s1, s9;
	[tilespmem:s11+$0x10000] =	vst v4;
	v4 =	vadd.f32 v7, v6;
	v6 =	vld [tilespmem:s28+$0x0]  }
0x142: {  	[dreg:$0x16] =	wrdreg s14;
	s14 =	sor.u32 s1, s10;
	v7 =	vadd.f32 v33, v8;
	v8 =	vld [tilespmem:s29+$0x0];
	v3 =	vmul.f32 $2.500000000e-01, v3  }
0x143: {  	v1 =	vadd.f32 v35, v1;
	v36 =	vld [tilespmem:s14+$0x0]  }
0x144: {  	v37 =	vld [tilespmem:s19+$0x0];
	[tilespmem:s20+$0x10080] =	vst v3;
	v3 =	vadd.f32 v7, v4  }
0x145: {  	v1 =	vadd.f32 v1, v2;
	v4 =	vld [tilespmem:s15+$0x0]  }
0x146: {  	[smem:$0x7EF] =	sst s13;
	v2 =	vld [tilespmem:s7+$0x0];
	v3 =	vmul.f32 $2.500000000e-01, v3  }
0x147: {  	[smem:$0x7EC] =	sst s18;
	s18 =	sor.u32 s31, s5;
	v1 =	vmul.f32 $2.500000000e-01, v1;
	v7 =	vld [tilespmem:s3+$0x0]  }
0x148: {  	s13 =	sor.u32 s31, s2;
	[tilespmem:s16+$0x10080] =	vst v3;
	v3 =	vadd.f32 v6, v5;
	v5 =	vadd.f32 v36, v8;
	v6 =	vld [tilespmem:s18+$0x0];
	s18 =	rddreg [dreg:$0x7]  }
0x149: {  	s26 =	sor.u32 s31, s9;
	v38 =	vld [tilespmem:s13+$0x0];
	[tilespmem:s18+$0x10000] =	vst v1  }
0x14a: {  	s28 =	sor.u32 s31, s10;
	v1 =	vadd.f32 v4, v37;
	v4 =	vld [tilespmem:s26+$0x0];
	v3 =	vadd.f32 v5, v3  }
0x14b: {  	s29 =	sor.u32 s30, s2;
	v5 =	vld [tilespmem:s28+$0x0]  }
0x14c: {  	[smem:$0x7EA] =	sst s12;
	s4 =	sor.u32 s0, s5;
	s5 =	sor.u32 s30, s5;
	v2 =	vadd.f32 v7, v2;
	v7 =	vld [tilespmem:s29+$0x0];
	v3 =	vmul.f32 $2.500000000e-01, v3  }
0x14d: {  	s12 =	sor.u32 $0x2200, s8;
	s23 =	sor.u32 s0, s9;
	s9 =	sor.u32 s30, s9;
	v8 =	vld [tilespmem:s5+$0x0]  }
0x14e: {  	s13 =	sor.u32 $0x2280, s8;
	s26 =	sor.u32 s1, s12;
	v1 =	vadd.f32 v2, v1;
	v2 =	vadd.f32 v6, v38;
	v6 =	vld [tilespmem:s9+$0x0];
	[tilespmem:s22+$0x10100] =	vst v3  }
0x14f: {  	s14 =	sor.u32 $0x2300, s8;
	s28 =	sor.u32 s1, s13;
	v3 =	vld [tilespmem:s26+$0x0]  }
0x150: {  	[dreg:$0xb] =	wrdreg s3;
	s3 =	sor.u32 s1, s14;
	v1 =	vmul.f32 $2.500000000e-01, v1;
	s26 =	sor.u32 $0x2380, s8;
	v4 =	vadd.f32 v5, v4;
	v5 =	vld [tilespmem:s28+$0x0]  }
0x151: {  	[dreg:$0xf] =	wrdreg s7;
	v39 =	vld [tilespmem:s3+$0x0];
	s7 =	sor.u32 s1, s26  }
0x152: {  	[tilespmem:s11+$0x10080] =	vst v1;
	v1 =	vadd.f32 v4, v2;
	v4 =	vld [tilespmem:s7+$0x0]  }
0x153: {  	[smem:$0x7E6] =	sst s25;
	s25 =	sor.u32 s0, s2;
	s2 =	sor.u32 s30, s10;
	v40 =	vld [tilespmem:s4+$0x0]  }
0x154: {  	v2 =	vadd.f32 v8, v7;
	v7 =	vld [tilespmem:s2+$0x0]  }
0x155: {  	v8 =	vld [tilespmem:s25+$0x0];
	v1 =	vmul.f32 $2.500000000e-01, v1  }
0x156: {  	[dreg:$0x19] =	wrdreg s6;
	s6 =	sor.u32 s0, s10;
	v41 =	vld [tilespmem:s23+$0x0]  }
0x157: {  	[smem:$0x7EE] =	sst s15;
	s28 =	sor.u32 s31, s12;
	v3 =	vadd.f32 v5, v3;
	[tilespmem:s20+$0x10100] =	vst v1;
	v1 =	vld [tilespmem:s6+$0x0];
	v4 =	vadd.f32 v4, v39  }
0x158: {  	[smem:$0x7E7] =	sst s19;
	s15 =	sor.u32 s31, s13;
	v5 =	vld [tilespmem:s28+$0x0]  }
0x159: {  	s19 =	smov.u32 s24;
	s18 =	sor.u32 s31, s14;
	v6 =	vadd.f32 v7, v6;
	v7 =	vld [tilespmem:s15+$0x0];
	s28 =	sld [smem:$0x7E3];
	v3 =	vadd.f32 v4, v3  }
0x15a: {  	[dreg:$0x7] =	wrdreg s19;
	s19 =	sor.u32 s31, s26;
	v4 =	vadd.f32 v40, v8;
	v8 =	vld [tilespmem:s18+$0x0]  }
0x15b: {  	v2 =	vadd.f32 v6, v2;
	v6 =	vld [tilespmem:s19+$0x0];
	v3 =	vmul.f32 $2.500000000e-01, v3  }
0x15c: {  	s29 =	sor.u32 s0, s14;
	s7 =	sor.u32 $0x4000, s8;
	v43 =	vld [tilespmem:s28+$0x0];
	v42 =	vadd.f32 v1, v41  }
0x15d: {  	s3 =	sor.u32 s30, s14;
	s14 =	sor.u32 $0x4080, s8;
	s2 =	sor.u32 s1, s7;
	v1 =	vld [tilespmem:s17+$0x0];
	[tilespmem:s22+$0x10180] =	vst v3  }
0x15e: {  	s6 =	sor.u32 s1, s14;
	s15 =	sor.u32 $0x4100, s8;
	v3 =	vadd.f32 v42, v4;
	v4 =	vadd.f32 v7, v5;
	v5 =	vld [tilespmem:s2+$0x0]  }
0x15f: {  	s18 =	sor.u32 $0x4180, s8;
	v2 =	vmul.f32 $2.500000000e-01, v2;
	s17 =	sor.u32 s1, s15;
	v7 =	vld [tilespmem:s6+$0x0]  }
0x160: {  	s10 =	sor.u32 s0, s12;
	s24 =	sor.u32 s0, s13;
	s19 =	sor.u32 s1, s18;
	v6 =	vadd.f32 v6, v8;
	v8 =	vld [tilespmem:s17+$0x0]  }
0x161: {  	s9 =	sor.u32 s30, s12;
	s12 =	sor.u32 s30, s13;
	s13 =	sor.u32 s30, s26;
	[tilespmem:s16+$0x10100] =	vst v2;
	v44 =	vld [tilespmem:s19+$0x0]  }
0x162: {  	v45 =	vld [tilespmem:s13+$0x0];
	v2 =	vadd.f32 v43, v0;
	v0 =	vadd.f32 v6, v4  }
0x163: {  	v3 =	vmul.f32 $2.500000000e-01, v3;
	v4 =	vld [tilespmem:s12+$0x0]  }
0x164: {  	v6 =	vld [tilespmem:s3+$0x0];
	v0 =	vmul.f32 $2.500000000e-01, v0  }
0x165: {  	[tilespmem:s11+$0x10100] =	vst v3;
	v3 =	vld [tilespmem:s9+$0x0]  }
0x166: {  	v46 =	vld [tilespmem:s10+$0x0];
	[tilespmem:s20+$0x10180] =	vst v0;
	v0 =	vadd.f32 v7, v5;
	v5 =	vadd.f32 v44, v8  }
0x167: {  	v7 =	vld [tilespmem:s24+$0x0]  }
0x168: {  	s2 =	sor.u32 s31, s14;
	v8 =	vld [tilespmem:s29+$0x0];
	v0 =	vadd.f32 v5, v0  }
0x169: {  	s5 =	sor.u32 s0, s26;
	s23 =	sor.u32 s0, s7;
	v47 =	vld [tilespmem:s2+$0x0]  }
0x16a: {  	s26 =	sor.u32 s31, s7;
	s4 =	sor.u32 s0, s18;
	s17 =	sor.u32 s31, s15;
	v6 =	vadd.f32 v45, v6;
	v3 =	vadd.f32 v4, v3;
	v4 =	vld [tilespmem:s5+$0x0];
	v0 =	vmul.f32 $2.500000000e-01, v0  }
0x16b: {  	s28 =	sor.u32 s30, s7;
	s7 =	sor.u32 $0x4280, s8;
	s3 =	sor.u32 $0x4200, s8;
	v48 =	vld [tilespmem:s17+$0x0]  }
0x16c: {  	s6 =	sor.u32 s31, s18;
	s12 =	sor.u32 s30, s18;
	s18 =	sor.u32 s1, s3;
	v5 =	vld [tilespmem:s26+$0x0];
	v3 =	vadd.f32 v6, v3;
	[tilespmem:s21+$0x10000] =	vst v0  }
0x16d: {  	s19 =	sor.u32 $0x4300, s8;
	s13 =	sor.u32 s1, s7;
	v0 =	vld [tilespmem:s18+$0x0]  }
0x16e: {  	s24 =	sor.u32 s1, s19;
	s17 =	sor.u32 $0x4380, s8;
	v3 =	vmul.f32 $2.500000000e-01, v3;
	v6 =	vld [tilespmem:s13+$0x0]  }
0x16f: {  	s29 =	sor.u32 s1, s17;
	v7 =	vadd.f32 v7, v46;
	v4 =	vadd.f32 v4, v8;
	v8 =	vld [tilespmem:s24+$0x0]  }
0x170: {  	[tilespmem:s16+$0x10180] =	vst v3;
	v3 =	vld [tilespmem:s29+$0x0]  }
0x171: {  	v4 =	vadd.f32 v4, v7;
	v7 =	vld [tilespmem:s6+$0x0]  }
0x172: {  	s22 =	sor.u32 s0, s14;
	s14 =	sor.u32 s30, s14;
	v49 =	vld [tilespmem:s28+$0x0]  }
0x173: {  	v50 =	vld [tilespmem:s14+$0x0];
	v4 =	vmul.f32 $2.500000000e-01, v4  }
0x174: {  	s9 =	sor.u32 s30, s15;
	v51 =	vld [tilespmem:s12+$0x0]  }
0x175: {  	s26 =	sor.u32 s0, s17;
	v0 =	vadd.f32 v6, v0;
	[tilespmem:s11+$0x10180] =	vst v4;
	v4 =	vld [tilespmem:s9+$0x0];
	v3 =	vadd.f32 v3, v8  }
0x176: {  	[smem:$0x7EB] =	sst s26;
	v5 =	vadd.f32 v47, v5;
	v6 =	vld [tilespmem:s23+$0x0];
	v7 =	vadd.f32 v7, v48  }
0x177: {  	s2 =	sor.u32 s31, s17;
	s24 =	sor.u32 s30, s17;
	s17 =	sld [smem:$0x7E5];
	v8 =	vld [tilespmem:s22+$0x0];
	v0 =	vadd.f32 v3, v0  }
0x178: {  	s25 =	sor.u32 s0, s15;
	s10 =	sor.u32 s0, s3;
	s12 =	sld [smem:$0x7E4];
	v52 =	vld [tilespmem:s4+$0x0];
	v5 =	vadd.f32 v7, v5  }
0x179: {  	s20 =	sor.u32 s0, s19;
	s5 =	sor.u32 s31, s3;
	s11 =	rddreg [dreg:$0x1d];
	v3 =	vld [tilespmem:s25+$0x0];
	v0 =	vmul.f32 $2.500000000e-01, v0  }
0x17a: {  	s26 =	sor.u32 s30, s3;
	s3 =	sor.u32 $0x6000, s8;
	s16 =	rddreg [dreg:$0x1b];
	v53 =	vld [tilespmem:s11+$0x0];
	v5 =	vmul.f32 $2.500000000e-01, v5  }
0x17b: {  	s13 =	sor.u32 s31, s19;
	s14 =	sor.u32 s1, s3;
	s4 =	sor.u32 $0x6080, s8;
	v7 =	vadd.f32 v50, v49;
	v4 =	vadd.f32 v51, v4;
	[tilespmem:s12+$0x10000] =	vst v0;
	v0 =	vld [tilespmem:s16+$0x0]  }
0x17c: {  	s6 =	sor.u32 s30, s19;
	s19 =	sor.u32 $0x6100, s8;
	s18 =	sor.u32 s1, s4;
	[tilespmem:s17+$0x10000] =	vst v5;
	v5 =	vld [tilespmem:s14+$0x0]  }
0x17d: {  	s23 =	sor.u32 $0x6180, s8;
	s22 =	sor.u32 s1, s19;
	v4 =	vadd.f32 v4, v7;
	v7 =	vld [tilespmem:s18+$0x0]  }
0x17e: {  	s28 =	sld [smem:$0x7E6];
	s25 =	sor.u32 s1, s23;
	v6 =	vadd.f32 v8, v6;
	v3 =	vadd.f32 v52, v3;
	v8 =	vld [tilespmem:s22+$0x0]  }
0x17f: {  	v1 =	vadd.f32 v53, v1;
	v54 =	vld [tilespmem:s25+$0x0];
	v4 =	vmul.f32 $2.500000000e-01, v4  }
0x180: {  	s21 =	sor.u32 s31, s7;
	s11 =	sor.u32 s0, s3;
	v3 =	vadd.f32 v3, v6;
	v6 =	vld [tilespmem:s5+$0x0]  }
0x181: {  	s12 =	sor.u32 s31, s3;
	s17 =	sor.u32 s30, s3;
	s3 =	sld [smem:$0x7E7];
	v1 =	vadd.f32 v1, v2;
	[tilespmem:s28+$0x10000] =	vst v4;
	v4 =	vld [tilespmem:s21+$0x0]  }
0x182: {  	v55 =	vld [tilespmem:s2+$0x0];
	v2 =	vmul.f32 $2.500000000e-01, v3  }
0x183: {  	s15 =	sor.u32 s0, s7;
	s7 =	sor.u32 s30, s7;
	s9 =	sor.u32 s31, s4;
	v1 =	vmul.f32 $2.500000000e-01, v1;
	v3 =	vld [tilespmem:s13+$0x0]  }
0x184: {  	s16 =	sor.u32 s0, s4;
	s25 =	sor.u32 s30, s4;
	s4 =	rddreg [dreg:$0x9];
	v5 =	vadd.f32 v7, v5;
	v7 =	vadd.f32 v54, v8;
	v8 =	vld [tilespmem:s7+$0x0];
	[tilespmem:s3+$0x10000] =	vst v2  }
0x185: {  	s29 =	sor.u32 s31, s19;
	v2 =	vld [tilespmem:s26+$0x0];
	[tilespmem:s4+$0x10000] =	vst v1  }
0x186: {  	s14 =	sor.u32 s0, s19;
	s18 =	sor.u32 s0, s23;
	s7 =	sld [smem:$0x7E8];
	v5 =	vadd.f32 v7, v5;
	v1 =	vadd.f32 v4, v6;
	v4 =	vld [tilespmem:s6+$0x0]  }
0x187: {  	s22 =	sor.u32 s31, s23;
	s5 =	sor.u32 s30, s19;
	s19 =	sld [smem:$0x7E9];
	v6 =	vld [tilespmem:s24+$0x0]  }
0x188: {  	s21 =	sor.u32 s30, s23;
	s28 =	sld [smem:$0x7EA];
	v56 =	vld [tilespmem:s15+$0x0];
	s15 =	sor.u32 $0x6300, s8;
	v3 =	vadd.f32 v55, v3;
	v5 =	vmul.f32 $2.500000000e-01, v5  }
0x189: {  	v7 =	vld [tilespmem:s10+$0x0];
	s13 =	smov.u32 s7;
	s7 =	sor.u32 $0x6280, s8;
	s6 =	sor.u32 $0x6200, s8  }
0x18a: {  	v57 =	vld [tilespmem:s20+$0x0];
	s26 =	sor.u32 s1, s15;
	s2 =	sor.u32 s31, s15;
	s23 =	sor.u32 s1, s6;
	v1 =	vadd.f32 v3, v1;
	[tilespmem:s19+$0x10000] =	vst v5  }
0x18b: {  	s24 =	sor.u32 s1, s7;
	s8 =	sor.u32 $0x6380, s8;
	s4 =	sor.u32 s31, s7;
	v3 =	vld [tilespmem:s23+$0x0]  }
0x18c: {  	s3 =	sor.u32 s31, s6;
	s10 =	sor.u32 s31, s8;
	s31 =	sld [smem:$0x7EB];
	v2 =	vadd.f32 v8, v2;
	v5 =	vld [tilespmem:s24+$0x0];
	v1 =	vmul.f32 $2.500000000e-01, v1;
	v4 =	vadd.f32 v6, v4  }
0x18d: {  	s1 =	sor.u32 s1, s8;
	v6 =	vld [tilespmem:s26+$0x0]  }
0x18e: {  	[tilespmem:s28+$0x10000] =	vst v1;
	v1 =	vadd.f32 v4, v2;
	v2 =	vld [tilespmem:s1+$0x0]  }
0x18f: {  	v4 =	vld [tilespmem:s31+$0x0]  }
0x190: {  	[dreg:$0x9] =	wrdreg s13;
	s13 =	sor.u32 s0, s7;
	s19 =	sor.u32 s0, s15  }
0x191: {  	s24 =	sor.u32 s30, s7;
	s7 =	sor.u32 s30, s15;
	s15 =	sld [smem:$0x7EC];
	v8 =	vld [tilespmem:s12+$0x0]  }
0x192: {  	v58 =	vld [tilespmem:s9+$0x0];
	v1 =	vmul.f32 $2.500000000e-01, v1  }
0x193: {  	v7 =	vadd.f32 v56, v7;
	v59 =	vld [tilespmem:s29+$0x0];
	v3 =	vadd.f32 v5, v3  }
0x194: {  	[tilespmem:s15+$0x10000] =	vst v1;
	v1 =	vld [tilespmem:s22+$0x0];
	v2 =	vadd.f32 v2, v6;
	v4 =	vadd.f32 v4, v57  }
0x195: {  	v5 =	vld [tilespmem:s17+$0x0]  }
0x196: {  	s22 =	sld [smem:$0x7ED];
	v6 =	vld [tilespmem:s25+$0x0];
	v2 =	vadd.f32 v2, v3;
	v3 =	vadd.f32 v4, v7  }
0x197: {  	s28 =	sld [smem:$0x7EE];
	v7 =	vld [tilespmem:s5+$0x0]  }
0x198: {  	s29 =	sld [smem:$0x7EF];
	v4 =	vadd.f32 v58, v8;
	v8 =	vld [tilespmem:s21+$0x0];
	v3 =	vmul.f32 $2.500000000e-01, v3  }
0x199: {  	s26 =	rddreg [dreg:$0x15];
	v61 =	vld [tilespmem:s22+$0x0];
	v2 =	vmul.f32 $2.500000000e-01, v2;
	v60 =	vadd.f32 v1, v59  }
0x19a: {  	s25 =	rddreg [dreg:$0x19];
	v1 =	vld [tilespmem:s26+$0x0];
	[tilespmem:s28+$0x10000] =	vst v3  }
.Ltmp0:
0x19b: {  	[tilespmem:s25+$0x10000] =	vst v2;
	v4 =	vadd.f32 v60, v4;
	v2 =	vld [tilespmem:s29+$0x0];
	(pc) =	sbr.rel @p1 .LBB2_2-.Ltmp0, $4  }
0x19c: {  	s20 =	sor.u32 s0, s6;
	s9 =	rddreg [dreg:$0x11];
	v3 =	vld [tilespmem:s11+$0x0]  }
0x19d: {  	s23 =	sor.u32 s30, s6;
	s1 =	sor.u32 s30, s8;
	s30 =	rddreg [dreg:$0x13];
	v62 =	vadd.f32 v6, v5;
	v5 =	vld [tilespmem:s16+$0x0];
	v7 =	vadd.f32 v8, v7;
	v63 =	vmul.f32 $2.500000000e-01, v4  }
0x19e: {  	s0 =	sor.u32 s0, s8;
	s12 =	smov.u32 s13;
	s31 =	rddreg [dreg:$0x16];
	v6 =	vld [tilespmem:s18+$0x0]  }
0x19f: {  	s13 =	smov.u32 s0;
	s0 =	sadd.s32 $0x40, s30;
	s17 =	smov.u32 s19;
	v0 =	vadd.f32 v61, v0;
	v4 =	vld [tilespmem:s14+$0x0];
	v7 =	vadd.f32 v7, v62;
	[tilespmem:s31+$0x10000] =	vst v63  }
0x1a0: {  	_ =	sdelay $0x2  }
0x1a1: {  	v8 =	vld [tilespmem:s3+$0x0];
	v7 =	vmul.f32 $2.500000000e-01, v7  }
0x1a2: {  	v9 =	vld [tilespmem:s4+$0x0];
	s0 =	rddreg [dreg:$0xd];
	v3 =	vadd.f32 v5, v3;
	v4 =	vadd.f32 v6, v4  }
0x1a3: {  	v5 =	vld [tilespmem:s2+$0x0];
	[tilespmem:s0+$0x10000] =	vst v7  }
0x1a4: {  	v6 =	vld [tilespmem:s23+$0x0];
	v3 =	vadd.f32 v4, v3  }
0x1a5: {  	v7 =	vld [tilespmem:s24+$0x0]  }
0x1a6: {  	v10 =	vld [tilespmem:s7+$0x0];
	v3 =	vmul.f32 $2.500000000e-01, v3  }
0x1a7: {  	s0 =	rddreg [dreg:$0xf];
	v4 =	vld [tilespmem:s10+$0x0]  }
0x1a8: {  	[tilespmem:s0+$0x10000] =	vst v3;
	v3 =	vld [tilespmem:s1+$0x0]  }
0x1a9: {  	v11 =	vld [tilespmem:s20+$0x0]  }
0x1aa: {  	v12 =	vld [tilespmem:s12+$0x0]  }
0x1ab: {  	v1 =	vadd.f32 v2, v1;
	v13 =	vld [tilespmem:s17+$0x0]  }
0x1ac: {  	v8 =	vadd.f32 v9, v8;
	v2 =	vld [tilespmem:s13+$0x0];
	v4 =	vadd.f32 v4, v5  }
0x1ad: {  	v0 =	vadd.f32 v1, v0  }
0x1ae: {  	v1 =	vadd.f32 v4, v8  }
0x1af: {  	v0 =	vmul.f32 $2.500000000e-01, v0;
	v4 =	vadd.f32 v7, v6;
	v3 =	vadd.f32 v3, v10  }
0x1b0: {  	s0 =	rddreg [dreg:$0x3];
	v5 =	vadd.f32 v12, v11  }
0x1b1: {  	[tilespmem:s0+$0x10000] =	vst v0;
	v1 =	vmul.f32 $2.500000000e-01, v1;
	v2 =	vadd.f32 v2, v13;
	v3 =	vadd.f32 v3, v4  }
0x1b2: {  	s0 =	rddreg [dreg:$0x7]  }
0x1b3: {  	[tilespmem:s0+$0x10000] =	vst v1;
	v2 =	vadd.f32 v2, v5;
	v0 =	vmul.f32 $2.500000000e-01, v3  }
0x1b4: {  	s0 =	rddreg [dreg:$0x9]  }
0x1b5: {  	v1 =	vmul.f32 $2.500000000e-01, v2;
	[tilespmem:s0+$0x10000] =	vst v0  }
0x1b6: {  	s0 =	rddreg [dreg:$0xb]  }
0x1b7: {  	[tilespmem:s0+$0x10000] =	vst v1  }
0x1b8: {  	s0 =	sld [smem:$0x7FB];
	_ =	sdelay $0x1  }
0x1b9: {  	s18 =	simm.s32 $0x0;
	s21 =	simm.s32 $0x10000;
	s22 =	simm.s32 $0x2  }
0x1ba: {  	[hbm4b:s0+s18] =	stream.linear.scatter [tilespmem:s21], [sflag:$0x3], $0x2000, $0x38;
	[tilespmem:$0x14000] =	vst v63  }
0x1bb: {  	s23 =	sand.u32 $0x40, s18;
	_ =	swait.ge [sflag:s22], $0x8000  }
0x1bc: {  	s3 =	sand.u32 $0x1C00, s18;
	s2 =	sor.u32 $0x30, s23;
	[sflag:s22] =	ssyncset.done $0x0  }
0x1bd: {  	s17 =	sor.u32 s3, s2;
	[sflag:s22] =	ssyncadd.s32 $0xFFFF8000  }
0x1be: {  	v0 =	vld [tilespmem:s17+$0x8000]  }
0x1bf: {  	v1 =	vld [tilespmem:s17+$0x8080]  }
0x1c0: {  	v2 =	vld [tilespmem:s17+$0x8100]  }
0x1c1: {  	v3 =	vld [tilespmem:s17+$0x8180];
	_ =	sdelay $0x1  }
0x1c2: {  	s4 =	sor.u32 $0x10, s23  }
0x1c3: {  	s15 =	sor.u32 s3, s4  }
0x1c4: {  	s28 =	sor.u32 $0x20, s23;
	v4 =	vld [tilespmem:s15+$0x8000]  }
0x1c5: {  	s11 =	sor.u32 s3, s28;
	v5 =	vld [tilespmem:s15+$0x8080];
	v0 =	vadd.f32 v1, v0;
	v1 =	vadd.f32 v3, v2  }
0x1c6: {  	p0 =	por $0x0, $0x0;
	s0 =	simm.s32 $0x1;
	v6 =	vld [tilespmem:s11+$0x8080]  }
0x1c7: {  	s0 =	simm.s32 @!p0 $0x0;
	v7 =	vld [tilespmem:s11+$0x8100];
	v0 =	vadd.f32 v1, v0  }
0x1c8: {  	s0 =	sshll.u32 s0, $0x6;
	v2 =	vld [tilespmem:s15+$0x8100]  }
0x1c9: {  	s9 =	sadd.s32 $0x0, s0;
	v3 =	vld [tilespmem:s15+$0x8180];
	v0 =	vmul.f32 $2.500000000e-01, v0  }
0x1ca: {  	s5 =	sadd.s32 $0x30, s9;
	v8 =	vld [tilespmem:s11+$0x8180]  }
0x1cb: {  	s16 =	sor.u32 $0x200, s5;
	v1 =	vld [tilespmem:s11+$0x8000];
	[tilespmem:s17+$0x12000] =	vst v0  }
0x1cc: {  	s1 =	sor.u32 $0x280, s5;
	v0 =	vld [tilespmem:s16+$0x8000]  }
0x1cd: {  	s0 =	sor.u32 $0x300, s5;
	s5 =	sor.u32 $0x380, s5;
	v56 =	vld [tilespmem:s1+$0x8000]  }
0x1ce: {  	v4 =	vadd.f32 v5, v4;
	v2 =	vadd.f32 v3, v2;
	v3 =	vld [tilespmem:s0+$0x8000];
	[smem:$0x7DE] =	sst s5  }
0x1cf: {  	v5 =	vld [tilespmem:s5+$0x8000]  }
0x1d0: {  	v2 =	vadd.f32 v2, v4  }
0x1d1: {  	s13 =	sor.u32 s23, s3  }
0x1d2: {  	v4 =	vld [tilespmem:s13+$0x8000];
	v2 =	vmul.f32 $2.500000000e-01, v2  }
0x1d3: {  	s24 =	sadd.s32 $0x10, s9;
	v1 =	vadd.f32 v6, v1;
	v6 =	vadd.f32 v8, v7;
	v57 =	vld [tilespmem:s13+$0x8080]  }
0x1d4: {  	s8 =	sor.u32 $0x200, s24;
	v7 =	vld [tilespmem:s13+$0x8100];
	[tilespmem:s15+$0x12000] =	vst v2;
	v0 =	vadd.f32 v56, v0;
	v2 =	vadd.f32 v5, v3  }
0x1d5: {  	s7 =	sor.u32 $0x380, s24;
	s5 =	sor.u32 $0x280, s24;
	v1 =	vadd.f32 v6, v1;
	v3 =	vld [tilespmem:s8+$0x8000]  }
0x1d6: {  	v5 =	vld [tilespmem:s5+$0x8000];
	[smem:$0x7DF] =	sst s7;
	v0 =	vadd.f32 v2, v0  }
0x1d7: {  	s6 =	sor.u32 $0x300, s24;
	v1 =	vmul.f32 $2.500000000e-01, v1;
	v6 =	vld [tilespmem:s7+$0x8000]  }
0x1d8: {  	s14 =	sadd.s32 $0x20, s9;
	v2 =	vld [tilespmem:s6+$0x8000];
	v0 =	vmul.f32 $2.500000000e-01, v0  }
0x1d9: {  	s20 =	sor.u32 $0xA000, s3;
	s10 =	sor.u32 $0x200, s14;
	v8 =	vld [tilespmem:s13+$0x8180];
	[tilespmem:s11+$0x12000] =	vst v1  }
0x1da: {  	s19 =	sor.u32 s2, s20;
	s7 =	sor.u32 $0xA080, s3;
	v1 =	vld [tilespmem:s10+$0x8000];
	[tilespmem:s17+$0x12080] =	vst v0  }
0x1db: {  	s12 =	sor.u32 $0xA100, s3;
	s25 =	sor.u32 s2, s7;
	v0 =	vld [tilespmem:s19+$0x0]  }
0x1dc: {  	s21 =	sor.u32 s2, s12;
	v58 =	vld [tilespmem:s25+$0x0]  }
0x1dd: {  	s24 =	sor.u32 $0x300, s14;
	v3 =	vadd.f32 v5, v3;
	s19 =	sor.u32 $0x280, s14;
	v2 =	vadd.f32 v6, v2;
	v5 =	vld [tilespmem:s21+$0x0];
	s14 =	sor.u32 $0x380, s14  }
0x1de: {  	v4 =	vadd.f32 v57, v4;
	v6 =	vadd.f32 v8, v7;
	v7 =	vld [tilespmem:s19+$0x8000];
	[smem:$0x7E0] =	sst s14  }
0x1df: {  	s22 =	sor.u32 $0xA180, s3;
	v8 =	vld [tilespmem:s24+$0x8000];
	v2 =	vadd.f32 v2, v3  }
0x1e0: {  	s26 =	sor.u32 s2, s22;
	v3 =	vadd.f32 v6, v4;
	v4 =	vld [tilespmem:s14+$0x8000]  }
0x1e1: {  	v6 =	vld [tilespmem:s26+$0x0];
	v2 =	vmul.f32 $2.500000000e-01, v2  }
0x1e2: {  	v3 =	vmul.f32 $2.500000000e-01, v3  }
0x1e3: {  	s29 =	sor.u32 s4, s20;
	[tilespmem:s15+$0x12080] =	vst v2  }
0x1e4: {  	s30 =	sor.u32 $0x300, s9;
	s14 =	sor.u32 $0x200, s9;
	[tilespmem:s13+$0x12000] =	vst v3;
	v2 =	vld [tilespmem:s29+$0x0]  }
0x1e5: {  	s18 =	sor.u32 s18, s18;
	v1 =	vadd.f32 v7, v1;
	v3 =	vadd.f32 v4, v8;
	v4 =	vld [tilespmem:s14+$0x8000];
	s29 =	sor.u32 $0x280, s9;
	[smem:$0x7DB] =	sst s30  }
0x1e6: {  	s31 =	sor.u32 $0x380, s18;
	v0 =	vadd.f32 v58, v0;
	v5 =	vadd.f32 v6, v5;
	v7 =	vld [tilespmem:s29+$0x8000]  }
0x1e7: {  	v1 =	vadd.f32 v3, v1;
	v3 =	vld [tilespmem:s30+$0x8000];
	[dreg:$0x4] =	wrdreg s31  }
0x1e8: {  	s18 =	sor.u32 s4, s7;
	v0 =	vadd.f32 v5, v0;
	v6 =	vld [tilespmem:s31+$0x8000]  }
0x1e9: {  	s21 =	sor.u32 s4, s12;
	v5 =	vld [tilespmem:s18+$0x0];
	v1 =	vmul.f32 $2.500000000e-01, v1  }
0x1ea: {  	s25 =	sor.u32 s4, s22;
	v8 =	vld [tilespmem:s21+$0x0];
	v0 =	vmul.f32 $2.500000000e-01, v0  }
0x1eb: {  	s26 =	sor.u32 s28, s20;
	v59 =	vld [tilespmem:s25+$0x0];
	s18 =	sor.u32 $0xA200, s3;
	[tilespmem:s11+$0x12080] =	vst v1  }
0x1ec: {  	s21 =	sor.u32 $0xA300, s3;
	s30 =	sor.u32 s2, s18;
	[tilespmem:s17+$0x12100] =	vst v0;
	v1 =	vld [tilespmem:s26+$0x0]  }
0x1ed: {  	s9 =	sor.u32 $0xA280, s3;
	s31 =	sor.u32 s2, s21;
	v4 =	vadd.f32 v7, v4;
	v0 =	vld [tilespmem:s30+$0x0];
	v3 =	vadd.f32 v6, v3  }
0x1ee: {  	s25 =	sor.u32 s2, s9;
	v7 =	vld [tilespmem:s31+$0x0]  }
0x1ef: {  	s26 =	sor.u32 $0xA380, s3;
	s31 =	sor.u32 s28, s7;
	v6 =	vld [tilespmem:s25+$0x0];
	v3 =	vadd.f32 v3, v4  }
0x1f0: {  	s30 =	sor.u32 s2, s26;
	v60 =	vld [tilespmem:s31+$0x0]  }
0x1f1: {  	s31 =	sor.u32 s28, s22;
	v4 =	vld [tilespmem:s30+$0x0];
	v3 =	vmul.f32 $2.500000000e-01, v3  }
0x1f2: {  	v2 =	vadd.f32 v5, v2;
	v5 =	vadd.f32 v59, v8;
	v61 =	vld [tilespmem:s31+$0x0];
	s30 =	sor.u32 s28, s12  }
0x1f3: {  	s20 =	sor.u32 s23, s20;
	v8 =	vld [tilespmem:s30+$0x0];
	[tilespmem:s13+$0x12080] =	vst v3  }
0x1f4: {  	s7 =	sor.u32 s23, s7;
	v2 =	vadd.f32 v5, v2;
	v3 =	vld [tilespmem:s20+$0x0]  }
0x1f5: {  	s30 =	sor.u32 s23, s12;
	v5 =	vld [tilespmem:s7+$0x0]  }
0x1f6: {  	s31 =	sor.u32 s23, s22;
	v2 =	vmul.f32 $2.500000000e-01, v2;
	v0 =	vadd.f32 v6, v0;
	v4 =	vadd.f32 v4, v7;
	v6 =	vld [tilespmem:s30+$0x0]  }
0x1f7: {  	v7 =	vld [tilespmem:s31+$0x0]  }
0x1f8: {  	s12 =	sor.u32 s4, s18;
	[tilespmem:s15+$0x12100] =	vst v2;
	v0 =	vadd.f32 v4, v0  }
0x1f9: {  	s22 =	sor.u32 s4, s21;
	v2 =	vld [tilespmem:s12+$0x0]  }
0x1fa: {  	s25 =	sor.u32 s4, s26;
	v62 =	vld [tilespmem:s22+$0x0];
	v0 =	vmul.f32 $2.500000000e-01, v0  }
0x1fb: {  	s20 =	sor.u32 s4, s9;
	s22 =	sor.u32 $0xC000, s3;
	v63 =	vld [tilespmem:s25+$0x0]  }
0x1fc: {  	s12 =	sor.u32 $0xC080, s3;
	s30 =	sor.u32 s2, s22;
	v4 =	vld [tilespmem:s20+$0x0];
	v3 =	vadd.f32 v5, v3;
	v5 =	vadd.f32 v7, v6;
	[tilespmem:s17+$0x12180] =	vst v0  }
0x1fd: {  	s31 =	sor.u32 s2, s12;
	v0 =	vadd.f32 v60, v1;
	v1 =	vadd.f32 v61, v8;
	s17 =	sor.u32 $0xC100, s3;
	v8 =	vld [tilespmem:s30+$0x0]  }
0x1fe: {  	s25 =	sor.u32 $0xC180, s3;
	v15 =	vld [tilespmem:s31+$0x0];
	s20 =	sor.u32 s2, s17;
	v3 =	vadd.f32 v5, v3  }
0x1ff: {  	s30 =	sor.u32 s2, s25;
	v0 =	vadd.f32 v1, v0;
	v1 =	vld [tilespmem:s20+$0x0]  }
0x200: {  	v16 =	vld [tilespmem:s30+$0x0];
	v3 =	vmul.f32 $2.500000000e-01, v3  }
0x201: {  	v0 =	vmul.f32 $2.500000000e-01, v0  }
0x202: {  	s31 =	sor.u32 s28, s18;
	v2 =	vadd.f32 v4, v2;
	v4 =	vadd.f32 v63, v62;
	s18 =	sor.u32 s23, s18;
	[tilespmem:s13+$0x12100] =	vst v3  }
0x203: {  	[tilespmem:s11+$0x12100] =	vst v0;
	v3 =	vld [tilespmem:s18+$0x0]  }
0x204: {  	s20 =	sor.u32 s28, s9;
	v2 =	vadd.f32 v4, v2;
	v0 =	vld [tilespmem:s31+$0x0]  }
0x205: {  	s30 =	sor.u32 s28, s21;
	v7 =	vadd.f32 v15, v8;
	v5 =	vld [tilespmem:s20+$0x0];
	v1 =	vadd.f32 v16, v1  }
0x206: {  	v6 =	vld [tilespmem:s30+$0x0];
	s31 =	sor.u32 s28, s26  }
0x207: {  	v2 =	vmul.f32 $2.500000000e-01, v2;
	s20 =	sor.u32 s23, s9;
	v8 =	vld [tilespmem:s31+$0x0];
	v1 =	vadd.f32 v1, v7  }
0x208: {  	s30 =	sor.u32 s23, s26;
	v4 =	vld [tilespmem:s20+$0x0]  }
0x209: {  	s21 =	sor.u32 s23, s21;
	[tilespmem:s15+$0x12180] =	vst v2;
	v2 =	vld [tilespmem:s30+$0x0];
	v1 =	vmul.f32 $2.500000000e-01, v1  }
0x20a: {  	s18 =	sor.u32 $0xC200, s3;
	s31 =	sor.u32 s4, s22;
	v7 =	vld [tilespmem:s21+$0x0]  }
0x20b: {  	s9 =	sor.u32 s2, s18;
	s20 =	sor.u32 $0xC280, s3;
	v17 =	vld [tilespmem:s31+$0x0];
	[tilespmem:s16+$0x12000] =	vst v1  }
0x20c: {  	s21 =	sor.u32 $0xC300, s3;
	s15 =	sor.u32 s2, s20;
	v0 =	vadd.f32 v5, v0;
	v5 =	vadd.f32 v8, v6;
	v1 =	vld [tilespmem:s9+$0x0]  }
0x20d: {  	s7 =	sor.u32 $0xC380, s3;
	s16 =	sor.u32 s2, s21;
	v6 =	vld [tilespmem:s15+$0x0]  }
0x20e: {  	s26 =	sor.u32 s2, s7;
	v8 =	vld [tilespmem:s16+$0x0];
	v0 =	vadd.f32 v5, v0  }
0x20f: {  	s30 =	sor.u32 s4, s12;
	v5 =	vld [tilespmem:s26+$0x0]  }
0x210: {  	v18 =	vld [tilespmem:s30+$0x0];
	s31 =	sor.u32 s4, s17;
	v3 =	vadd.f32 v4, v3;
	v2 =	vadd.f32 v2, v7;
	v0 =	vmul.f32 $2.500000000e-01, v0  }
0x211: {  	v4 =	vld [tilespmem:s31+$0x0];
	s15 =	sor.u32 s4, s25  }
0x212: {  	s16 =	sor.u32 s28, s22;
	v2 =	vadd.f32 v2, v3;
	[tilespmem:s11+$0x12180] =	vst v0;
	v0 =	vld [tilespmem:s15+$0x0]  }
0x213: {  	s26 =	sor.u32 s28, s12;
	v3 =	vld [tilespmem:s16+$0x0]  }
0x214: {  	s30 =	sor.u32 s28, s17;
	v2 =	vmul.f32 $2.500000000e-01, v2;
	v1 =	vadd.f32 v6, v1;
	v7 =	vld [tilespmem:s26+$0x0];
	v5 =	vadd.f32 v5, v8  }
0x215: {  	s31 =	sor.u32 s28, s25;
	v6 =	vld [tilespmem:s30+$0x0]  }
0x216: {  	s12 =	sor.u32 s23, s12;
	[tilespmem:s13+$0x12180] =	vst v2;
	v2 =	vld [tilespmem:s31+$0x0];
	v1 =	vadd.f32 v5, v1  }
0x217: {  	s15 =	sor.u32 s23, s25;
	v8 =	vld [tilespmem:s12+$0x0]  }
0x218: {  	v9 =	vadd.f32 v18, v17;
	s11 =	sor.u32 s23, s22;
	v19 =	vld [tilespmem:s15+$0x0];
	v0 =	vadd.f32 v0, v4;
	v1 =	vmul.f32 $2.500000000e-01, v1  }
0x219: {  	s13 =	sor.u32 s23, s17;
	s17 =	sor.u32 $0xE000, s3;
	v5 =	vld [tilespmem:s11+$0x0]  }
0x21a: {  	s16 =	sor.u32 s2, s17;
	s11 =	sor.u32 $0xE080, s3;
	v4 =	vld [tilespmem:s13+$0x0];
	v0 =	vadd.f32 v0, v9;
	[tilespmem:s1+$0x12000] =	vst v1  }
0x21b: {  	s22 =	sor.u32 s2, s11;
	v1 =	vld [tilespmem:s16+$0x0];
	s16 =	sor.u32 $0xE100, s3  }
0x21c: {  	s15 =	sor.u32 $0xE180, s3;
	v3 =	vadd.f32 v7, v3;
	v2 =	vadd.f32 v2, v6;
	v20 =	vld [tilespmem:s22+$0x0];
	v0 =	vmul.f32 $2.500000000e-01, v0;
	s25 =	sor.u32 s2, s16  }
0x21d: {  	s26 =	sor.u32 s2, s15;
	v6 =	vld [tilespmem:s25+$0x0]  }
0x21e: {  	s30 =	sor.u32 s4, s18;
	v2 =	vadd.f32 v2, v3;
	[tilespmem:s8+$0x12000] =	vst v0;
	v0 =	vld [tilespmem:s26+$0x0]  }
0x21f: {  	s31 =	sor.u32 s4, s20;
	v5 =	vadd.f32 v8, v5;
	v4 =	vadd.f32 v19, v4;
	v3 =	vld [tilespmem:s30+$0x0]  }
0x220: {  	v2 =	vmul.f32 $2.500000000e-01, v2;
	s8 =	sor.u32 s4, s21;
	v7 =	vld [tilespmem:s31+$0x0]  }
0x221: {  	s9 =	sor.u32 s4, s7;
	v8 =	vld [tilespmem:s8+$0x0];
	v4 =	vadd.f32 v4, v5  }
0x222: {  	s12 =	sor.u32 s28, s18;
	[tilespmem:s10+$0x12000] =	vst v2;
	v2 =	vld [tilespmem:s9+$0x0]  }
0x223: {  	s22 =	sor.u32 s28, s21;
	v5 =	vld [tilespmem:s12+$0x0];
	v4 =	vmul.f32 $2.500000000e-01, v4  }
0x224: {  	s13 =	sor.u32 s28, s20;
	v21 =	vld [tilespmem:s22+$0x0]  }
0x225: {  	s26 =	sor.u32 s23, s18;
	v0 =	vadd.f32 v0, v6;
	v6 =	vld [tilespmem:s13+$0x0];
	[tilespmem:s14+$0x12000] =	vst v4  }
0x226: {  	s30 =	sor.u32 s23, s20;
	v4 =	vld [tilespmem:s26+$0x0]  }
0x227: {  	s31 =	sor.u32 s23, s21;
	v1 =	vadd.f32 v20, v1;
	v3 =	vadd.f32 v7, v3;
	v7 =	vld [tilespmem:s30+$0x0]  }
0x228: {  	s8 =	sor.u32 s23, s7;
	v2 =	vadd.f32 v2, v8;
	v8 =	vld [tilespmem:s31+$0x0]  }
0x229: {  	s25 =	sor.u32 s28, s7;
	v22 =	vld [tilespmem:s8+$0x0];
	v0 =	vadd.f32 v0, v1  }
0x22a: {  	v1 =	vld [tilespmem:s25+$0x0]  }
0x22b: {  	v0 =	vmul.f32 $2.500000000e-01, v0  }
0x22c: {  	s26 =	sor.u32 $0xE200, s3;
	v2 =	vadd.f32 v2, v3  }
0x22d: {  	s14 =	sor.u32 $0xE280, s3;
	s1 =	sor.u32 s2, s26;
	v3 =	vadd.f32 v6, v5;
	[tilespmem:s0+$0x12000] =	vst v0  }
0x22e: {  	s22 =	sor.u32 $0xE300, s3;
	s9 =	sor.u32 s2, s14;
	v5 =	vmul.f32 $2.500000000e-01, v2;
	v4 =	vadd.f32 v7, v4;
	v8 =	vadd.f32 v22, v8;
	v0 =	vld [tilespmem:s1+$0x0]  }
0x22f: {  	s10 =	sor.u32 s2, s22;
	v6 =	vadd.f32 v1, v21;
	v1 =	vld [tilespmem:s9+$0x0]  }
0x230: {  	s20 =	sor.u32 s4, s11;
	v2 =	vld [tilespmem:s10+$0x0];
	[tilespmem:s5+$0x12000] =	vst v5;
	v4 =	vadd.f32 v8, v4  }
0x231: {  	s21 =	sor.u32 s4, s16;
	s12 =	sor.u32 $0xE380, s3;
	v7 =	vld [tilespmem:s20+$0x0];
	v5 =	vadd.f32 v6, v3  }
0x232: {  	s13 =	sor.u32 s2, s12;
	v23 =	vld [tilespmem:s21+$0x0];
	v4 =	vmul.f32 $2.500000000e-01, v4  }
0x233: {  	s18 =	sor.u32 s4, s17;
	v3 =	vld [tilespmem:s13+$0x0];
	v5 =	vmul.f32 $2.500000000e-01, v5  }
0x234: {  	s25 =	sor.u32 s4, s15;
	v6 =	vld [tilespmem:s18+$0x0];
	[tilespmem:s29+$0x12000] =	vst v4  }
0x235: {  	s5 =	sor.u32 s23, s17;
	[tilespmem:s19+$0x12000] =	vst v5;
	v5 =	vld [tilespmem:s25+$0x0]  }
0x236: {  	s7 =	sor.u32 s23, s11;
	v9 =	vld [tilespmem:s5+$0x0]  }
0x237: {  	s8 =	sor.u32 s23, s16;
	v10 =	vld [tilespmem:s7+$0x0]  }
0x238: {  	s9 =	sor.u32 s23, s15;
	v11 =	vld [tilespmem:s8+$0x0]  }
0x239: {  	s3 =	sor.u32 s28, s15;
	s13 =	simm.s32 $0x40;
	v12 =	vld [tilespmem:s9+$0x0]  }
0x23a: {  	s30 =	sor.u32 s28, s17;
	s29 =	simm.s32 $0x200;
	v15 =	vld [tilespmem:s3+$0x0];
	s3 =	sand.u32 $0x40, s13  }
0x23b: {  	s31 =	sor.u32 s28, s11;
	s11 =	sand.u32 $0x1C00, s29;
	v8 =	vld [tilespmem:s30+$0x0];
	s17 =	sor.u32 $0x30, s3  }
0x23c: {  	v24 =	vld [tilespmem:s31+$0x0];
	s8 =	sor.u32 s11, s17  }
0x23d: {  	v4 =	vadd.f32 v7, v6;
	v7 =	vld [tilespmem:s8+$0x8000]  }
0x23e: {  	v16 =	vld [tilespmem:s8+$0x8080]  }
0x23f: {  	v17 =	vld [tilespmem:s8+$0x8100];
	v5 =	vadd.f32 v5, v23  }
0x240: {  	s2 =	sor.u32 s28, s16;
	s5 =	sor.u32 $0x10, s3;
	v18 =	vld [tilespmem:s8+$0x8180]  }
0x241: {  	v14 =	vld [tilespmem:s2+$0x0];
	s9 =	sor.u32 s11, s5;
	v4 =	vadd.f32 v5, v4  }
0x242: {  	v19 =	vld [tilespmem:s9+$0x8000]  }
0x243: {  	v26 =	vld [tilespmem:s9+$0x8080];
	v4 =	vmul.f32 $2.500000000e-01, v4  }
0x244: {  	v27 =	vld [tilespmem:s9+$0x8100]  }
0x245: {  	s10 =	sor.u32 s4, s26;
	v28 =	vld [tilespmem:s9+$0x8180];
	v7 =	vadd.f32 v16, v7;
	v25 =	vadd.f32 v18, v17;
	[tilespmem:s6+$0x12000] =	vst v4  }
0x246: {  	p0 =	por !p0, !p0;
	s0 =	simm.s32 $0x1;
	s15 =	sor.u32 s4, s14;
	v4 =	vld [tilespmem:s10+$0x0]  }
0x247: {  	s16 =	sor.u32 s4, s22;
	s0 =	simm.s32 @!p0 $0x0;
	s6 =	sor.u32 $0x20, s3;
	v7 =	vadd.f32 v25, v7;
	v5 =	vld [tilespmem:s15+$0x0]  }
0x248: {  	s0 =	sshll.u32 s0, $0x6;
	v6 =	vld [tilespmem:s16+$0x0];
	s19 =	sor.u32 s11, s6  }
0x249: {  	s0 =	sadd.s32 $0x200, s0;
	v20 =	vld [tilespmem:s19+$0x8000];
	v7 =	vmul.f32 $2.500000000e-01, v7  }
0x24a: {  	s18 =	sadd.s32 $0x30, s0;
	v21 =	vld [tilespmem:s19+$0x8080]  }
0x24b: {  	s30 =	sor.u32 $0x200, s18;
	v22 =	vld [tilespmem:s19+$0x8100];
	[tilespmem:s8+$0x12000] =	vst v7  }
0x24c: {  	s20 =	sor.u32 $0x300, s18;
	s15 =	sor.u32 $0x280, s18;
	v7 =	vld [tilespmem:s30+$0x8000]  }
0x24d: {  	s1 =	sor.u32 $0x380, s18;
	v17 =	vadd.f32 v26, v19;
	v16 =	vadd.f32 v28, v27;
	v29 =	vld [tilespmem:s15+$0x8000];
	[smem:$0x7DC] =	sst s20  }
0x24e: {  	v30 =	vld [tilespmem:s20+$0x8000];
	[smem:$0x7E1] =	sst s1  }
0x24f: {  	v16 =	vadd.f32 v16, v17;
	v31 =	vld [tilespmem:s1+$0x8000]  }
0x250: {  	s20 =	sor.u32 s3, s11;
	v23 =	vld [tilespmem:s19+$0x8180]  }
0x251: {  	v34 =	vmul.f32 $2.500000000e-01, v16;
	v33 =	vld [tilespmem:s20+$0x8000]  }
0x252: {  	s21 =	sadd.s32 $0x10, s0;
	v8 =	vadd.f32 v24, v8;
	v32 =	vadd.f32 v15, v14;
	v35 =	vld [tilespmem:s20+$0x8080]  }
0x253: {  	s25 =	sor.u32 $0x280, s21;
	s16 =	sor.u32 $0x200, s21;
	v36 =	vld [tilespmem:s20+$0x8100];
	[tilespmem:s9+$0x12000] =	vst v34  }
0x254: {  	s31 =	sor.u32 $0x300, s21;
	v8 =	vadd.f32 v32, v8;
	v15 =	vld [tilespmem:s16+$0x8000];
	[smem:$0x7DD] =	sst s25  }
0x255: {  	s1 =	sor.u32 $0x380, s21;
	v39 =	vld [tilespmem:s25+$0x8000];
	[smem:$0x7E2] =	sst s31;
	v7 =	vadd.f32 v29, v7;
	v17 =	vadd.f32 v31, v30  }
0x256: {  	v37 =	vadd.f32 v21, v20;
	v40 =	vld [tilespmem:s31+$0x8000];
	[dreg:$0x8] =	wrdreg s1;
	v38 =	vadd.f32 v23, v22  }
0x257: {  	v8 =	vmul.f32 $2.500000000e-01, v8;
	v42 =	vld [tilespmem:s1+$0x8000];
	v7 =	vadd.f32 v17, v7  }
0x258: {  	v41 =	vadd.f32 v38, v37  }
0x259: {  	s2 =	sor.u32 s4, s12;
	s4 =	sor.u32 s28, s26;
	v43 =	vld [tilespmem:s20+$0x8180];
	[tilespmem:s24+$0x12000] =	vst v8;
	v44 =	vmul.f32 $2.500000000e-01, v7  }
0x25a: {  	s10 =	sor.u32 $0xA000, s11;
	v8 =	vld [tilespmem:s4+$0x0];
	v17 =	vmul.f32 $2.500000000e-01, v41  }
0x25b: {  	s7 =	sadd.s32 $0x20, s0;
	s18 =	sor.u32 s17, s10;
	v7 =	vld [tilespmem:s2+$0x0];
	[tilespmem:s8+$0x12080] =	vst v44  }
0x25c: {  	s24 =	sor.u32 $0x280, s7;
	v15 =	vadd.f32 v39, v15;
	v18 =	vadd.f32 v42, v40;
	[tilespmem:s19+$0x12000] =	vst v17;
	v22 =	vld [tilespmem:s18+$0x0]  }
0x25d: {  	s21 =	sor.u32 $0x300, s7;
	v14 =	vadd.f32 v35, v33;
	s18 =	sor.u32 $0x200, s7;
	v45 =	vld [tilespmem:s24+$0x8000]  }
0x25e: {  	s1 =	sor.u32 $0x380, s7;
	v13 =	vadd.f32 v43, v36;
	v15 =	vadd.f32 v18, v15;
	v17 =	vld [tilespmem:s18+$0x8000];
	[dreg:$0xe] =	wrdreg s21  }
0x25f: {  	s7 =	sor.u32 $0xA080, s11;
	v46 =	vld [tilespmem:s21+$0x8000];
	[dreg:$0xa] =	wrdreg s1  }
0x260: {  	s2 =	sor.u32 $0xA100, s11;
	v13 =	vadd.f32 v13, v14;
	s25 =	sor.u32 s17, s7;
	v15 =	vmul.f32 $2.500000000e-01, v15;
	v47 =	vld [tilespmem:s1+$0x8000]  }
0x261: {  	s31 =	sor.u32 s17, s2;
	v48 =	vld [tilespmem:s25+$0x0]  }
0x262: {  	v13 =	vmul.f32 $2.500000000e-01, v13;
	s1 =	sor.u32 $0xA180, s11;
	v49 =	vld [tilespmem:s31+$0x0];
	[tilespmem:s9+$0x12080] =	vst v15;
	s25 =	sor.u32 s5, s10  }
0x263: {  	s21 =	sor.u32 s17, s1;
	v15 =	vld [tilespmem:s25+$0x0]  }
0x264: {  	[tilespmem:s20+$0x12000] =	vst v13;
	s31 =	simm.s32 $0x200;
	s25 =	sor.u32 $0x280, s0;
	v50 =	vld [tilespmem:s21+$0x0];
	s21 =	sor.u32 $0x200, s0  }
0x265: {  	s0 =	sor.u32 $0x300, s0;
	v52 =	vld [tilespmem:s21+$0x8000];
	[dreg:$0x6] =	wrdreg s31;
	s31 =	sor.u32 s29, s13  }
0x266: {  	v51 =	vadd.f32 v45, v17;
	v53 =	vld [tilespmem:s25+$0x8000];
	s4 =	sor.u32 $0x380, s31;
	[dreg:$0x10] =	wrdreg s0;
	v14 =	vadd.f32 v47, v46  }
0x267: {  	v54 =	vld [tilespmem:s0+$0x8000];
	[dreg:$0xc] =	wrdreg s4  }
0x268: {  	v55 =	vld [tilespmem:s4+$0x8000];
	v13 =	vadd.f32 v14, v51  }
0x269: {  	s13 =	sor.u32 s5, s7;
	v18 =	vadd.f32 v48, v22;
	v20 =	vadd.f32 v50, v49  }
0x26a: {  	s29 =	sor.u32 s5, s2;
	v56 =	vld [tilespmem:s13+$0x0];
	v13 =	vmul.f32 $2.500000000e-01, v13  }
0x26b: {  	s31 =	sor.u32 s5, s1;
	v57 =	vld [tilespmem:s29+$0x0];
	v18 =	vadd.f32 v20, v18  }
0x26c: {  	v58 =	vld [tilespmem:s31+$0x0];
	s4 =	sor.u32 s6, s10;
	[tilespmem:s19+$0x12080] =	vst v13  }
0x26d: {  	s13 =	sor.u32 s6, s7;
	v16 =	vadd.f32 v53, v52;
	v18 =	vmul.f32 $2.500000000e-01, v18;
	v14 =	vadd.f32 v55, v54;
	v13 =	vld [tilespmem:s4+$0x0]  }
0x26e: {  	s0 =	sor.u32 $0xA200, s11;
	s29 =	sor.u32 s6, s2;
	v59 =	vld [tilespmem:s13+$0x0]  }
0x26f: {  	s31 =	sor.u32 s17, s0;
	v60 =	vld [tilespmem:s29+$0x0];
	s13 =	sor.u32 $0xA280, s11;
	[tilespmem:s8+$0x12100] =	vst v18;
	v14 =	vadd.f32 v14, v16  }
0x270: {  	s29 =	sor.u32 s17, s13;
	v18 =	vld [tilespmem:s31+$0x0];
	s31 =	sor.u32 $0xA300, s11  }
0x271: {  	s4 =	sor.u32 $0xA380, s11;
	v61 =	vld [tilespmem:s29+$0x0];
	s29 =	sor.u32 s17, s31;
	v14 =	vmul.f32 $2.500000000e-01, v14  }
0x272: {  	v15 =	vadd.f32 v56, v15;
	v20 =	vadd.f32 v58, v57;
	v62 =	vld [tilespmem:s29+$0x0];
	s29 =	sor.u32 s17, s4  }
0x273: {  	s10 =	sor.u32 s3, s10;
	v63 =	vld [tilespmem:s29+$0x0];
	[tilespmem:s20+$0x12080] =	vst v14  }
0x274: {  	s7 =	sor.u32 s3, s7;
	v29 =	vadd.f32 v20, v15;
	v30 =	vld [tilespmem:s10+$0x0]  }
0x275: {  	s2 =	sor.u32 s3, s2;
	v31 =	vld [tilespmem:s7+$0x0]  }
0x276: {  	s29 =	sor.u32 s6, s1;
	v14 =	vmul.f32 $2.500000000e-01, v29;
	s1 =	sor.u32 s3, s1;
	v24 =	vld [tilespmem:s2+$0x0]  }
0x277: {  	v25 =	vld [tilespmem:s1+$0x0]  }
0x278: {  	v28 =	vld [tilespmem:s29+$0x0];
	s10 =	sor.u32 s5, s0;
	[tilespmem:s9+$0x12100] =	vst v14;
	v32 =	vadd.f32 v61, v18;
	v33 =	vadd.f32 v63, v62  }
0x279: {  	s29 =	sor.u32 s5, s13;
	v34 =	vld [tilespmem:s10+$0x0]  }
0x27a: {  	s2 =	sor.u32 s5, s31;
	v35 =	vld [tilespmem:s29+$0x0];
	v14 =	vadd.f32 v33, v32  }
0x27b: {  	s7 =	sor.u32 s5, s4;
	v36 =	vld [tilespmem:s2+$0x0]  }
0x27c: {  	v37 =	vld [tilespmem:s7+$0x0];
	s10 =	sor.u32 s28, s14;
	v15 =	vadd.f32 v31, v30;
	v40 =	vadd.f32 v25, v24;
	v14 =	vmul.f32 $2.500000000e-01, v14  }
0x27d: {  	v23 =	vadd.f32 v59, v13;
	s29 =	sor.u32 s28, s22;
	v13 =	vld [tilespmem:s10+$0x0];
	s10 =	sor.u32 $0xC000, s11;
	v17 =	vadd.f32 v28, v60  }
0x27e: {  	s7 =	sor.u32 $0xC080, s11;
	s2 =	sor.u32 s17, s10;
	v15 =	vadd.f32 v40, v15;
	[tilespmem:s8+$0x12180] =	vst v14;
	v14 =	vld [tilespmem:s29+$0x0]  }
0x27f: {  	v17 =	vadd.f32 v17, v23;
	s8 =	sor.u32 s17, s7;
	v38 =	vld [tilespmem:s2+$0x0];
	s2 =	sor.u32 $0xC100, s11  }
0x280: {  	s1 =	sor.u32 $0xC180, s11;
	v15 =	vmul.f32 $2.500000000e-01, v15;
	v39 =	vld [tilespmem:s8+$0x0];
	s29 =	sor.u32 s17, s2  }
0x281: {  	v17 =	vmul.f32 $2.500000000e-01, v17;
	v41 =	vld [tilespmem:s29+$0x0];
	s29 =	sor.u32 s17, s1  }
0x282: {  	v18 =	vadd.f32 v35, v34;
	v16 =	vadd.f32 v37, v36;
	[tilespmem:s20+$0x12100] =	vst v15;
	s8 =	sor.u32 s3, s31;
	v42 =	vld [tilespmem:s29+$0x0]  }
0x283: {  	[tilespmem:s19+$0x12100] =	vst v17;
	v51 =	vld [tilespmem:s8+$0x0];
	s29 =	sor.u32 s6, s0  }
0x284: {  	v46 =	vadd.f32 v16, v18;
	v17 =	vld [tilespmem:s29+$0x0];
	s29 =	sor.u32 s6, s13  }
0x285: {  	v43 =	vld [tilespmem:s29+$0x0];
	s29 =	sor.u32 s6, s31  }
0x286: {  	v15 =	vmul.f32 $2.500000000e-01, v46;
	v44 =	vld [tilespmem:s29+$0x0];
	s29 =	sor.u32 s6, s4  }
0x287: {  	s0 =	sor.u32 s3, s0;
	v48 =	vadd.f32 v39, v38;
	v45 =	vld [tilespmem:s29+$0x0];
	v49 =	vadd.f32 v42, v41  }
0x288: {  	[tilespmem:s9+$0x12180] =	vst v15;
	v47 =	vld [tilespmem:s0+$0x0];
	s31 =	sor.u32 s5, s7  }
0x289: {  	v54 =	vld [tilespmem:s31+$0x0];
	s29 =	sor.u32 s3, s13;
	v18 =	vadd.f32 v49, v48  }
0x28a: {  	s13 =	sor.u32 s3, s4;
	v50 =	vld [tilespmem:s29+$0x0]  }
0x28b: {  	s4 =	sor.u32 s5, s2;
	v52 =	vld [tilespmem:s13+$0x0];
	v18 =	vmul.f32 $2.500000000e-01, v18  }
0x28c: {  	s31 =	sor.u32 $0xC200, s11;
	s29 =	sor.u32 s5, s10;
	v55 =	vld [tilespmem:s4+$0x0];
	v17 =	vadd.f32 v43, v17;
	v19 =	vadd.f32 v45, v44  }
0x28d: {  	s8 =	sor.u32 s17, s31;
	s4 =	sor.u32 $0xC280, s11;
	v53 =	vld [tilespmem:s29+$0x0];
	[tilespmem:s30+$0x12000] =	vst v18  }
0x28e: {  	s0 =	sor.u32 $0xC300, s11;
	s9 =	sor.u32 s17, s4;
	v17 =	vadd.f32 v19, v17;
	v18 =	vld [tilespmem:s8+$0x0]  }
0x28f: {  	s13 =	sor.u32 s17, s0;
	s30 =	sor.u32 $0xC380, s11;
	v56 =	vld [tilespmem:s9+$0x0]  }
0x290: {  	v16 =	vadd.f32 v50, v47;
	v15 =	vadd.f32 v52, v51;
	v57 =	vld [tilespmem:s13+$0x0];
	s29 =	sor.u32 s17, s30;
	v17 =	vmul.f32 $2.500000000e-01, v17  }
0x291: {  	s9 =	sor.u32 s5, s1;
	v58 =	vld [tilespmem:s29+$0x0]  }
0x292: {  	v15 =	vadd.f32 v15, v16;
	s13 =	sor.u32 s6, s10;
	v59 =	vld [tilespmem:s9+$0x0];
	[tilespmem:s19+$0x12180] =	vst v17  }
0x293: {  	s19 =	sor.u32 s6, s7;
	v60 =	vld [tilespmem:s13+$0x0]  }
0x294: {  	s29 =	sor.u32 s6, s2;
	v15 =	vmul.f32 $2.500000000e-01, v15;
	v61 =	vld [tilespmem:s19+$0x0]  }
0x295: {  	v9 =	vadd.f32 v10, v9;
	v62 =	vadd.f32 v12, v11;
	s9 =	sor.u32 s6, s1;
	v26 =	vld [tilespmem:s29+$0x0]  }
0x296: {  	s10 =	sor.u32 s3, s10;
	[tilespmem:s20+$0x12180] =	vst v15;
	v63 =	vld [tilespmem:s9+$0x0];
	v27 =	vadd.f32 v56, v18;
	v28 =	vadd.f32 v58, v57  }
0x297: {  	v9 =	vadd.f32 v62, v9;
	s7 =	sor.u32 s3, s7;
	v29 =	vld [tilespmem:s10+$0x0]  }
0x298: {  	s2 =	sor.u32 s3, s2;
	v30 =	vld [tilespmem:s7+$0x0];
	s19 =	sld [smem:$0x7DB];
	v12 =	vadd.f32 v28, v27  }
0x299: {  	v9 =	vmul.f32 $2.500000000e-01, v9;
	s1 =	sor.u32 s3, s1;
	v31 =	vld [tilespmem:s2+$0x0]  }
0x29a: {  	v33 =	vadd.f32 v54, v53;
	s13 =	sor.u32 s28, s12;
	v32 =	vld [tilespmem:s1+$0x0];
	v17 =	vadd.f32 v59, v55;
	v12 =	vmul.f32 $2.500000000e-01, v12  }
0x29b: {  	s20 =	sor.u32 s23, s26;
	v34 =	vld [tilespmem:s13+$0x0];
	[tilespmem:s19+$0x12000] =	vst v9;
	s19 =	sor.u32 $0xE000, s11  }
0x29c: {  	s10 =	sor.u32 $0xE080, s11;
	v35 =	vadd.f32 v17, v33;
	v9 =	vld [tilespmem:s20+$0x0];
	s26 =	sor.u32 s17, s19;
	[tilespmem:s15+$0x12000] =	vst v12  }
0x29d: {  	s1 =	sor.u32 $0xE100, s11;
	s28 =	sor.u32 s17, s10;
	v36 =	vld [tilespmem:s26+$0x0]  }
0x29e: {  	s29 =	sor.u32 s17, s1;
	v16 =	vadd.f32 v61, v60;
	v11 =	vadd.f32 v63, v26;
	v12 =	vmul.f32 $2.500000000e-01, v35;
	s15 =	sor.u32 $0xE180, s11;
	v37 =	vld [tilespmem:s28+$0x0]  }
0x29f: {  	v38 =	vld [tilespmem:s29+$0x0];
	s7 =	sor.u32 s17, s15  }
0x2a0: {  	s8 =	sor.u32 s5, s31;
	v11 =	vadd.f32 v11, v16;
	[tilespmem:s16+$0x12000] =	vst v12;
	v39 =	vld [tilespmem:s7+$0x0]  }
0x2a1: {  	s9 =	sor.u32 s5, s4;
	v40 =	vld [tilespmem:s8+$0x0]  }
0x2a2: {  	s13 =	sor.u32 s5, s0;
	v11 =	vmul.f32 $2.500000000e-01, v11;
	v41 =	vld [tilespmem:s9+$0x0]  }
0x2a3: {  	v10 =	vadd.f32 v30, v29;
	v15 =	vadd.f32 v32, v31;
	s16 =	sor.u32 s5, s30;
	v42 =	vld [tilespmem:s13+$0x0]  }
0x2a4: {  	s20 =	sor.u32 s6, s31;
	[tilespmem:s18+$0x12000] =	vst v11;
	v43 =	vld [tilespmem:s16+$0x0]  }
0x2a5: {  	v10 =	vadd.f32 v15, v10;
	s26 =	sor.u32 s6, s4;
	v44 =	vld [tilespmem:s20+$0x0]  }
0x2a6: {  	s28 =	sor.u32 s6, s0;
	v45 =	vld [tilespmem:s26+$0x0]  }
0x2a7: {  	s29 =	sor.u32 s6, s30;
	v10 =	vmul.f32 $2.500000000e-01, v10;
	v46 =	vld [tilespmem:s28+$0x0];
	v17 =	vadd.f32 v37, v36;
	v12 =	vadd.f32 v39, v38  }
0x2a8: {  	v47 =	vld [tilespmem:s29+$0x0]  }
0x2a9: {  	[tilespmem:s21+$0x12000] =	vst v10;
	v12 =	vadd.f32 v12, v17  }
0x2aa: {  	s8 =	sld [smem:$0x7DC]  }
0x2ab: {  	s31 =	sor.u32 s3, s31;
	v16 =	vadd.f32 v41, v40;
	v11 =	vadd.f32 v43, v42;
	v12 =	vmul.f32 $2.500000000e-01, v12  }
0x2ac: {  	s4 =	sor.u32 s3, s4;
	v48 =	vld [tilespmem:s31+$0x0];
	v15 =	vadd.f32 v45, v44  }
0x2ad: {  	s7 =	sor.u32 s3, s0;
	v49 =	vld [tilespmem:s4+$0x0];
	v10 =	vadd.f32 v47, v46;
	v11 =	vadd.f32 v11, v16;
	[tilespmem:s8+$0x12000] =	vst v12  }
0x2ae: {  	s26 =	sor.u32 s3, s30;
	v50 =	vld [tilespmem:s7+$0x0];
	s28 =	sld [smem:$0x7DD]  }
0x2af: {  	v54 =	vld [tilespmem:s26+$0x0];
	v10 =	vadd.f32 v10, v15;
	v11 =	vmul.f32 $2.500000000e-01, v11;
	_ =	sdelay $0x1  }
0x2b0: {  	v0 =	vadd.f32 v1, v0;
	v1 =	vadd.f32 v3, v2;
	s31 =	sor.u32 s5, s1;
	v2 =	vmul.f32 $2.500000000e-01, v10;
	[tilespmem:s28+$0x12000] =	vst v11  }
0x2b1: {  	s4 =	sor.u32 s5, s15;
	v3 =	vld [tilespmem:s31+$0x0]  }
0x2b2: {  	[tilespmem:s24+$0x12000] =	vst v2;
	v2 =	vld [tilespmem:s4+$0x0]  }
0x2b3: {  	s18 =	sor.u32 $0xE300, s11;
	v57 =	vadd.f32 v49, v48;
	v11 =	vadd.f32 v54, v50  }
0x2b4: {  	v0 =	vadd.f32 v1, v0;
	s20 =	sor.u32 s17, s18  }
0x2b5: {  	v52 =	vld [tilespmem:s20+$0x0];
	s20 =	sor.u32 s23, s22;
	s22 =	sld [smem:$0x7DE];
	v1 =	vadd.f32 v11, v57  }
0x2b6: {  	v0 =	vmul.f32 $2.500000000e-01, v0;
	v4 =	vadd.f32 v5, v4;
	s0 =	sor.u32 $0xE200, s11  }
0x2b7: {  	v5 =	vadd.f32 v7, v6;
	s16 =	sor.u32 $0xE280, s11;
	s9 =	sor.u32 s17, s0;
	v3 =	vadd.f32 v2, v3;
	v2 =	vmul.f32 $2.500000000e-01, v1  }
0x2b8: {  	s11 =	sor.u32 $0xE380, s11;
	s13 =	sor.u32 s17, s16;
	v12 =	vld [tilespmem:s9+$0x0];
	[tilespmem:s22+$0x12000] =	vst v0  }
0x2b9: {  	v4 =	vadd.f32 v5, v4;
	s21 =	sor.u32 s17, s11;
	v51 =	vld [tilespmem:s13+$0x0];
	[tilespmem:s25+$0x12000] =	vst v2  }
0x2ba: {  	v53 =	vld [tilespmem:s21+$0x0];
	s28 =	sld [smem:$0x7DF]  }
0x2bb: {  	v4 =	vmul.f32 $2.500000000e-01, v4;
	v6 =	vadd.f32 v13, v8;
	v7 =	vadd.f32 v34, v14  }
0x2bc: {  	s29 =	sor.u32 s5, s19  }
0x2bd: {  	v5 =	vadd.f32 v7, v6;
	s30 =	sor.u32 s5, s10;
	v55 =	vld [tilespmem:s29+$0x0];
	[tilespmem:s28+$0x12000] =	vst v4  }
0x2be: {  	s7 =	sor.u32 s6, s19;
	v56 =	vld [tilespmem:s30+$0x0];
	s29 =	sld [smem:$0x7E0]  }
0x2bf: {  	v5 =	vmul.f32 $2.500000000e-01, v5;
	s8 =	sor.u32 s6, s10;
	v8 =	vld [tilespmem:s7+$0x0];
	v7 =	vadd.f32 v51, v12;
	v60 =	vadd.f32 v53, v52  }
0x2c0: {  	s9 =	sor.u32 s6, s1;
	v58 =	vld [tilespmem:s8+$0x0]  }
0x2c1: {  	s13 =	sor.u32 s6, s15;
	v59 =	vld [tilespmem:s9+$0x0];
	v0 =	vadd.f32 v60, v7;
	[tilespmem:s29+$0x12000] =	vst v5  }
0x2c2: {  	s17 =	sor.u32 s23, s14;
	v6 =	vld [tilespmem:s13+$0x0];
	s30 =	sld [smem:$0x7E1]  }
0x2c3: {  	s2 =	sor.u32 s5, s18;
	v61 =	vld [tilespmem:s17+$0x0];
	s26 =	sor.u32 s3, s15;
	v62 =	vadd.f32 v56, v55;
	v0 =	vmul.f32 $2.500000000e-01, v0  }
0x2c4: {  	s21 =	sor.u32 s23, s12;
	s23 =	sor.u32 s3, s19;
	s1 =	sor.u32 s3, s1;
	v1 =	vld [tilespmem:s20+$0x0]  }
0x2c5: {  	s12 =	sor.u32 s3, s11;
	s15 =	sor.u32 s6, s18;
	s24 =	sor.u32 s3, s10;
	v2 =	vld [tilespmem:s21+$0x0];
	v7 =	vadd.f32 v3, v62;
	[tilespmem:s30+$0x12000] =	vst v0  }
0x2c6: {  	s10 =	sor.u32 s5, s11;
	s7 =	sor.u32 s3, s16;
	v3 =	vld [tilespmem:s23+$0x0];
	s31 =	sld [smem:$0x7E2]  }
0x2c7: {  	s13 =	sor.u32 s3, s18;
	s9 =	simm.s32 $0x4;
	s4 =	sor.u32 s5, s16;
	v8 =	vadd.f32 v58, v8;
	v63 =	vadd.f32 v6, v59;
	v6 =	vld [tilespmem:s26+$0x0];
	v7 =	vmul.f32 $2.500000000e-01, v7  }
0x2c8: {  	s20 =	sor.u32 s3, s0;
	s3 =	sor.u32 s5, s0;
	s23 =	sor.u32 s6, s0;
	v4 =	vld [tilespmem:s1+$0x0]  }
0x2c9: {  	s0 =	simm.s32 $0x80;
	s1 =	sor.u32 s6, s11;
	v5 =	vld [tilespmem:s24+$0x0];
	s24 =	sor.u32 s6, s16;
	v0 =	vadd.f32 v61, v9;
	[tilespmem:s31+$0x12000] =	vst v7;
	v7 =	vadd.f32 v63, v8  }
.LBB2_4:
0x2ca: {  	[dreg:$0x14] =	wrdreg s0  }
0x2cb: {  	s5 =	rddreg [dreg:$0x6]  }
0x2cc: {  	s0 =	rddreg [dreg:$0x14]  }
0x2cd: {  	v8 =	vld [tilespmem:s3+$0x0];
	s5 =	sadd.s32 $0x200, s5;
	s0 =	sand.u32 $0x40, s0  }
0x2ce: {  	[dreg:$0x1e] =	wrdreg s1;
	v9 =	vld [tilespmem:s4+$0x0];
	s8 =	sand.u32 $0x1C00, s5;
	s1 =	sor.u32 $0x30, s0  }
0x2cf: {  	v7 =	vmul.f32 $2.500000000e-01, v7;
	v2 =	vadd.f32 v2, v1;
	s22 =	sor.u32 s8, s1;
	v1 =	vld [tilespmem:s2+$0x0]  }
0x2d0: {  	s25 =	rddreg [dreg:$0xe];
	v3 =	vadd.f32 v5, v3;
	v5 =	vld [tilespmem:s22+$0x8000]  }
0x2d1: {  	[tilespmem:s25+$0x12000] =	vst v7;
	v7 =	vld [tilespmem:s22+$0x8080]  }
0x2d2: {  	s31 =	sor.u32 $0x10, s0;
	v0 =	vadd.f32 v2, v0;
	v2 =	vadd.f32 v6, v4;
	v4 =	vld [tilespmem:s22+$0x8100]  }
0x2d3: {  	[dreg:$0x1c] =	wrdreg s20;
	s20 =	sor.u32 s8, s31;
	v6 =	vld [tilespmem:s22+$0x8180]  }
0x2d4: {  	[smem:$0x7CF] =	sst s24;
	v29 =	vld [tilespmem:s20+$0x8100]  }
0x2d5: {  	s26 =	rddreg [dreg:$0x4];
	v10 =	vld [tilespmem:s20+$0x8180];
	v0 =	vmul.f32 $2.500000000e-01, v0  }
0x2d6: {  	s24 =	rddreg [dreg:$0x14];
	s30 =	sor.u32 $0x20, s0;
	v3 =	vadd.f32 v2, v3;
	v2 =	vadd.f32 v9, v8;
	v8 =	vld [tilespmem:s20+$0x8080]  }
0x2d7: {  	s2 =	sor.u32 s5, s24;
	s16 =	sor.u32 s8, s30;
	[tilespmem:s26+$0x12000] =	vst v0;
	v0 =	vld [tilespmem:s20+$0x8000]  }
0x2d8: {  	s6 =	rddreg [dreg:$0x10];
	s2 =	sor.u32 $0x380, s2;
	v3 =	vmul.f32 $2.500000000e-01, v3;
	v5 =	vadd.f32 v7, v5;
	v7 =	vld [tilespmem:s16+$0x8100];
	v4 =	vadd.f32 v6, v4  }
0x2d9: {  	p0 =	por !p0, !p0;
	s3 =	smov.u32 s2;
	s2 =	simm.s32 $0x1;
	v6 =	vld [tilespmem:s16+$0x8080]  }
0x2da: {  	s2 =	simm.s32 @!p0 $0x0;
	[tilespmem:s6+$0x12000] =	vst v3;
	v3 =	vld [tilespmem:s16+$0x8000];
	v4 =	vadd.f32 v4, v5  }
0x2db: {  	s11 =	sor.u32 s0, s8;
	s2 =	sshll.u32 s2, $0x6;
	v5 =	vld [tilespmem:s16+$0x8180]  }
0x2dc: {  	s2 =	sadd.s32 s2, s5;
	v9 =	vadd.f32 v10, v29;
	v30 =	vld [tilespmem:s11+$0x8080];
	v0 =	vadd.f32 v8, v0;
	v4 =	vmul.f32 $2.500000000e-01, v4  }
0x2dd: {  	s6 =	sadd.s32 $0x30, s2;
	v11 =	vld [tilespmem:s11+$0x8100]  }
0x2de: {  	s21 =	sor.u32 $0x200, s6;
	v8 =	vld [tilespmem:s11+$0x8000];
	v0 =	vadd.f32 v9, v0;
	[tilespmem:s22+$0x12000] =	vst v4  }
0x2df: {  	[dreg:$0x1f] =	wrdreg s12;
	s12 =	sor.u32 $0x280, s6;
	v4 =	vld [tilespmem:s21+$0x8000]  }
0x2e0: {  	s19 =	sor.u32 $0x300, s6;
	v3 =	vadd.f32 v6, v3;
	v5 =	vadd.f32 v5, v7;
	v6 =	vld [tilespmem:s12+$0x8000];
	v0 =	vmul.f32 $2.500000000e-01, v0  }
0x2e1: {  	s6 =	sor.u32 $0x380, s6;
	v7 =	vld [tilespmem:s19+$0x8000]  }
0x2e2: {  	[dreg:$0x18] =	wrdreg s7;
	s7 =	sadd.s32 $0x10, s2;
	[tilespmem:s20+$0x12000] =	vst v0;
	v0 =	vadd.f32 v5, v3;
	v3 =	vld [tilespmem:s6+$0x8000]  }
0x2e3: {  	s26 =	sor.u32 $0x200, s7;
	v5 =	vld [tilespmem:s11+$0x8180]  }
0x2e4: {  	s18 =	sor.u32 $0x280, s7;
	v31 =	vld [tilespmem:s26+$0x8000]  }
0x2e5: {  	s14 =	sor.u32 $0x300, s7;
	v32 =	vld [tilespmem:s18+$0x8000];
	v0 =	vmul.f32 $2.500000000e-01, v0  }
0x2e6: {  	[dreg:$0x6] =	wrdreg s5;
	s5 =	sadd.s32 $0x20, s2;
	s24 =	sor.u32 $0x380, s7;
	v12 =	vld [tilespmem:s14+$0x8000]  }
0x2e7: {  	s28 =	rddreg [dreg:$0xc];
	s25 =	sor.u32 $0x200, s5;
	v4 =	vadd.f32 v6, v4;
	[tilespmem:s16+$0x12000] =	vst v0;
	v0 =	vld [tilespmem:s24+$0x8000];
	v3 =	vadd.f32 v3, v7  }
0x2e8: {  	[smem:$0x7D9] =	sst s13;
	s29 =	smov.u32 s28;
	s13 =	sor.u32 $0x280, s5;
	v8 =	vadd.f32 v30, v8;
	v6 =	vld [tilespmem:s25+$0x8000]  }
0x2e9: {  	s9 =	sadd.s32 $0x4, s9;
	[dreg:$0x4] =	wrdreg s29;
	s29 =	sor.u32 $0x380, s5;
	v5 =	vadd.f32 v5, v11;
	v7 =	vld [tilespmem:s13+$0x8000];
	v3 =	vadd.f32 v3, v4  }
0x2ea: {  	s17 =	smov.u32 s15;
	[dreg:$0x12] =	wrdreg s9;
	s28 =	sor.u32 $0x300, s5;
	v33 =	vld [tilespmem:s29+$0x8000]  }
0x2eb: {  	p1 =	slt.u32 s9, $0x3C;
	s15 =	sor.u32 $0x280, s2;
	s7 =	sor.u32 $0x300, s2;
	v4 =	vadd.f32 v5, v8;
	v8 =	vld [tilespmem:s28+$0x8000];
	v3 =	vmul.f32 $2.500000000e-01, v3  }
0x2ec: {  	[smem:$0x7D5] =	sst s19;
	s19 =	sor.u32 $0x200, s2;
	s2 =	sor.u32 $0xA000, s8;
	v35 =	vld [tilespmem:s10+$0x0];
	v5 =	vadd.f32 v32, v31;
	v34 =	vadd.f32 v0, v12  }
0x2ed: {  	s5 =	sor.u32 $0xA080, s8;
	[smem:$0x7D1] =	sst s26;
	s26 =	sor.u32 s1, s2;
	v4 =	vmul.f32 $2.500000000e-01, v4;
	v0 =	vld [tilespmem:s23+$0x0];
	[tilespmem:s22+$0x12080] =	vst v3  }
0x2ee: {  	s9 =	sor.u32 $0xA100, s8;
	[dreg:$0xe] =	wrdreg s28;
	s28 =	sor.u32 s1, s5;
	v3 =	vadd.f32 v34, v5;
	v5 =	vld [tilespmem:s26+$0x0]  }
0x2ef: {  	[smem:$0x7D4] =	sst s29;
	s10 =	sor.u32 $0xA180, s8;
	s29 =	sor.u32 s1, s9;
	[tilespmem:s11+$0x12000] =	vst v4;
	v4 =	vadd.f32 v7, v6;
	v6 =	vld [tilespmem:s28+$0x0]  }
0x2f0: {  	[dreg:$0x17] =	wrdreg s14;
	s14 =	sor.u32 s1, s10;
	v7 =	vadd.f32 v33, v8;
	v8 =	vld [tilespmem:s29+$0x0];
	v3 =	vmul.f32 $2.500000000e-01, v3  }
0x2f1: {  	v1 =	vadd.f32 v35, v1;
	v36 =	vld [tilespmem:s14+$0x0]  }
0x2f2: {  	v37 =	vld [tilespmem:s19+$0x8000];
	[tilespmem:s20+$0x12080] =	vst v3;
	v3 =	vadd.f32 v7, v4  }
0x2f3: {  	v1 =	vadd.f32 v1, v2;
	v4 =	vld [tilespmem:s15+$0x8000]  }
0x2f4: {  	[smem:$0x7D6] =	sst s18;
	v2 =	vld [tilespmem:s7+$0x8000];
	v3 =	vmul.f32 $2.500000000e-01, v3  }
0x2f5: {  	[smem:$0x7D8] =	sst s13;
	s18 =	sor.u32 s31, s5;
	v1 =	vmul.f32 $2.500000000e-01, v1;
	v7 =	vld [tilespmem:s3+$0x8000]  }
0x2f6: {  	s13 =	sor.u32 s31, s2;
	[tilespmem:s16+$0x12080] =	vst v3;
	v3 =	vadd.f32 v6, v5;
	v5 =	vadd.f32 v36, v8;
	v6 =	vld [tilespmem:s18+$0x0];
	s18 =	rddreg [dreg:$0x8]  }
0x2f7: {  	s26 =	sor.u32 s31, s9;
	v38 =	vld [tilespmem:s13+$0x0];
	[tilespmem:s18+$0x12000] =	vst v1  }
0x2f8: {  	s28 =	sor.u32 s31, s10;
	v1 =	vadd.f32 v4, v37;
	v4 =	vld [tilespmem:s26+$0x0];
	v3 =	vadd.f32 v5, v3  }
0x2f9: {  	s29 =	sor.u32 s30, s2;
	v5 =	vld [tilespmem:s28+$0x0]  }
0x2fa: {  	s4 =	sor.u32 s0, s5;
	[smem:$0x7D0] =	sst s12;
	s5 =	sor.u32 s30, s5;
	v2 =	vadd.f32 v7, v2;
	v7 =	vld [tilespmem:s29+$0x0];
	v3 =	vmul.f32 $2.500000000e-01, v3  }
0x2fb: {  	s12 =	sor.u32 $0xA200, s8;
	s23 =	sor.u32 s0, s9;
	s9 =	sor.u32 s30, s9;
	v8 =	vld [tilespmem:s5+$0x0]  }
0x2fc: {  	s13 =	sor.u32 $0xA280, s8;
	s26 =	sor.u32 s1, s12;
	v1 =	vadd.f32 v2, v1;
	v2 =	vadd.f32 v6, v38;
	v6 =	vld [tilespmem:s9+$0x0];
	[tilespmem:s22+$0x12100] =	vst v3  }
0x2fd: {  	s14 =	sor.u32 $0xA300, s8;
	s28 =	sor.u32 s1, s13;
	v3 =	vld [tilespmem:s26+$0x0]  }
0x2fe: {  	[dreg:$0xc] =	wrdreg s3;
	s3 =	sor.u32 s1, s14;
	v1 =	vmul.f32 $2.500000000e-01, v1;
	s26 =	sor.u32 $0xA380, s8;
	v4 =	vadd.f32 v5, v4;
	v5 =	vld [tilespmem:s28+$0x0]  }
0x2ff: {  	[dreg:$0x10] =	wrdreg s7;
	v39 =	vld [tilespmem:s3+$0x0];
	s7 =	sor.u32 s1, s26  }
0x300: {  	[tilespmem:s11+$0x12080] =	vst v1;
	v1 =	vadd.f32 v4, v2;
	v4 =	vld [tilespmem:s7+$0x0]  }
0x301: {  	[smem:$0x7D2] =	sst s25;
	s25 =	sor.u32 s0, s2;
	s2 =	sor.u32 s30, s10;
	v40 =	vld [tilespmem:s4+$0x0]  }
0x302: {  	v2 =	vadd.f32 v8, v7;
	v7 =	vld [tilespmem:s2+$0x0]  }
0x303: {  	v8 =	vld [tilespmem:s25+$0x0];
	v1 =	vmul.f32 $2.500000000e-01, v1  }
0x304: {  	[dreg:$0x1a] =	wrdreg s6;
	s6 =	sor.u32 s0, s10;
	v41 =	vld [tilespmem:s23+$0x0]  }
0x305: {  	[smem:$0x7DA] =	sst s15;
	s28 =	sor.u32 s31, s12;
	v3 =	vadd.f32 v5, v3;
	[tilespmem:s20+$0x12100] =	vst v1;
	v1 =	vld [tilespmem:s6+$0x0];
	v4 =	vadd.f32 v4, v39  }
0x306: {  	[smem:$0x7D3] =	sst s19;
	s15 =	sor.u32 s31, s13;
	v5 =	vld [tilespmem:s28+$0x0]  }
0x307: {  	s19 =	smov.u32 s24;
	s18 =	sor.u32 s31, s14;
	v6 =	vadd.f32 v7, v6;
	v7 =	vld [tilespmem:s15+$0x0];
	s28 =	sld [smem:$0x7CF];
	v3 =	vadd.f32 v4, v3  }
0x308: {  	[dreg:$0x8] =	wrdreg s19;
	s19 =	sor.u32 s31, s26;
	v4 =	vadd.f32 v40, v8;
	v8 =	vld [tilespmem:s18+$0x0]  }
0x309: {  	v2 =	vadd.f32 v6, v2;
	v6 =	vld [tilespmem:s19+$0x0];
	v3 =	vmul.f32 $2.500000000e-01, v3  }
0x30a: {  	s29 =	sor.u32 s0, s14;
	s7 =	sor.u32 $0xC000, s8;
	v43 =	vld [tilespmem:s28+$0x0];
	v42 =	vadd.f32 v1, v41  }
0x30b: {  	s3 =	sor.u32 s30, s14;
	s14 =	sor.u32 $0xC080, s8;
	s2 =	sor.u32 s1, s7;
	v1 =	vld [tilespmem:s17+$0x0];
	[tilespmem:s22+$0x12180] =	vst v3  }
0x30c: {  	s6 =	sor.u32 s1, s14;
	s15 =	sor.u32 $0xC100, s8;
	v3 =	vadd.f32 v42, v4;
	v4 =	vadd.f32 v7, v5;
	v5 =	vld [tilespmem:s2+$0x0]  }
0x30d: {  	s18 =	sor.u32 $0xC180, s8;
	v2 =	vmul.f32 $2.500000000e-01, v2;
	s17 =	sor.u32 s1, s15;
	v7 =	vld [tilespmem:s6+$0x0]  }
0x30e: {  	s10 =	sor.u32 s0, s12;
	s24 =	sor.u32 s0, s13;
	s19 =	sor.u32 s1, s18;
	v6 =	vadd.f32 v6, v8;
	v8 =	vld [tilespmem:s17+$0x0]  }
0x30f: {  	s9 =	sor.u32 s30, s12;
	s12 =	sor.u32 s30, s13;
	s13 =	sor.u32 s30, s26;
	[tilespmem:s16+$0x12100] =	vst v2;
	v44 =	vld [tilespmem:s19+$0x0]  }
0x310: {  	v45 =	vld [tilespmem:s13+$0x0];
	v2 =	vadd.f32 v43, v0;
	v0 =	vadd.f32 v6, v4  }
0x311: {  	v3 =	vmul.f32 $2.500000000e-01, v3;
	v4 =	vld [tilespmem:s12+$0x0]  }
0x312: {  	v6 =	vld [tilespmem:s3+$0x0];
	v0 =	vmul.f32 $2.500000000e-01, v0  }
0x313: {  	[tilespmem:s11+$0x12100] =	vst v3;
	v3 =	vld [tilespmem:s9+$0x0]  }
0x314: {  	v46 =	vld [tilespmem:s10+$0x0];
	[tilespmem:s20+$0x12180] =	vst v0;
	v0 =	vadd.f32 v7, v5;
	v5 =	vadd.f32 v44, v8  }
0x315: {  	v7 =	vld [tilespmem:s24+$0x0]  }
0x316: {  	s2 =	sor.u32 s31, s14;
	v8 =	vld [tilespmem:s29+$0x0];
	v0 =	vadd.f32 v5, v0  }
0x317: {  	s5 =	sor.u32 s0, s26;
	s23 =	sor.u32 s0, s7;
	v47 =	vld [tilespmem:s2+$0x0]  }
0x318: {  	s26 =	sor.u32 s31, s7;
	s4 =	sor.u32 s0, s18;
	s17 =	sor.u32 s31, s15;
	v6 =	vadd.f32 v45, v6;
	v3 =	vadd.f32 v4, v3;
	v4 =	vld [tilespmem:s5+$0x0];
	v0 =	vmul.f32 $2.500000000e-01, v0  }
0x319: {  	s28 =	sor.u32 s30, s7;
	s7 =	sor.u32 $0xC280, s8;
	s3 =	sor.u32 $0xC200, s8;
	v48 =	vld [tilespmem:s17+$0x0]  }
0x31a: {  	s6 =	sor.u32 s31, s18;
	s12 =	sor.u32 s30, s18;
	s18 =	sor.u32 s1, s3;
	v5 =	vld [tilespmem:s26+$0x0];
	v3 =	vadd.f32 v6, v3;
	[tilespmem:s21+$0x12000] =	vst v0  }
0x31b: {  	s19 =	sor.u32 $0xC300, s8;
	s13 =	sor.u32 s1, s7;
	v0 =	vld [tilespmem:s18+$0x0]  }
0x31c: {  	s24 =	sor.u32 s1, s19;
	s17 =	sor.u32 $0xC380, s8;
	v3 =	vmul.f32 $2.500000000e-01, v3;
	v6 =	vld [tilespmem:s13+$0x0]  }
0x31d: {  	s29 =	sor.u32 s1, s17;
	v7 =	vadd.f32 v7, v46;
	v4 =	vadd.f32 v4, v8;
	v8 =	vld [tilespmem:s24+$0x0]  }
0x31e: {  	[tilespmem:s16+$0x12180] =	vst v3;
	v3 =	vld [tilespmem:s29+$0x0]  }
0x31f: {  	v4 =	vadd.f32 v4, v7;
	v7 =	vld [tilespmem:s6+$0x0]  }
0x320: {  	s22 =	sor.u32 s0, s14;
	s14 =	sor.u32 s30, s14;
	v49 =	vld [tilespmem:s28+$0x0]  }
0x321: {  	v50 =	vld [tilespmem:s14+$0x0];
	v4 =	vmul.f32 $2.500000000e-01, v4  }
0x322: {  	s9 =	sor.u32 s30, s15;
	v51 =	vld [tilespmem:s12+$0x0]  }
0x323: {  	s26 =	sor.u32 s0, s17;
	v0 =	vadd.f32 v6, v0;
	[tilespmem:s11+$0x12180] =	vst v4;
	v4 =	vld [tilespmem:s9+$0x0];
	v3 =	vadd.f32 v3, v8  }
0x324: {  	[smem:$0x7D7] =	sst s26;
	v5 =	vadd.f32 v47, v5;
	v6 =	vld [tilespmem:s23+$0x0];
	v7 =	vadd.f32 v7, v48  }
0x325: {  	s2 =	sor.u32 s31, s17;
	s24 =	sor.u32 s30, s17;
	s17 =	sld [smem:$0x7D1];
	v8 =	vld [tilespmem:s22+$0x0];
	v0 =	vadd.f32 v3, v0  }
0x326: {  	s25 =	sor.u32 s0, s15;
	s10 =	sor.u32 s0, s3;
	s12 =	sld [smem:$0x7D0];
	v52 =	vld [tilespmem:s4+$0x0];
	v5 =	vadd.f32 v7, v5  }
0x327: {  	s20 =	sor.u32 s0, s19;
	s5 =	sor.u32 s31, s3;
	s11 =	rddreg [dreg:$0x1e];
	v3 =	vld [tilespmem:s25+$0x0];
	v0 =	vmul.f32 $2.500000000e-01, v0  }
0x328: {  	s26 =	sor.u32 s30, s3;
	s3 =	sor.u32 $0xE000, s8;
	s16 =	rddreg [dreg:$0x1c];
	v53 =	vld [tilespmem:s11+$0x0];
	v5 =	vmul.f32 $2.500000000e-01, v5  }
0x329: {  	s13 =	sor.u32 s31, s19;
	s14 =	sor.u32 s1, s3;
	s4 =	sor.u32 $0xE080, s8;
	v7 =	vadd.f32 v50, v49;
	v4 =	vadd.f32 v51, v4;
	[tilespmem:s12+$0x12000] =	vst v0;
	v0 =	vld [tilespmem:s16+$0x0]  }
0x32a: {  	s6 =	sor.u32 s30, s19;
	s19 =	sor.u32 $0xE100, s8;
	s18 =	sor.u32 s1, s4;
	[tilespmem:s17+$0x12000] =	vst v5;
	v5 =	vld [tilespmem:s14+$0x0]  }
0x32b: {  	s23 =	sor.u32 $0xE180, s8;
	s22 =	sor.u32 s1, s19;
	v4 =	vadd.f32 v4, v7;
	v7 =	vld [tilespmem:s18+$0x0]  }
0x32c: {  	s28 =	sld [smem:$0x7D2];
	s25 =	sor.u32 s1, s23;
	v6 =	vadd.f32 v8, v6;
	v3 =	vadd.f32 v52, v3;
	v8 =	vld [tilespmem:s22+$0x0]  }
0x32d: {  	v1 =	vadd.f32 v53, v1;
	v54 =	vld [tilespmem:s25+$0x0];
	v4 =	vmul.f32 $2.500000000e-01, v4  }
0x32e: {  	s21 =	sor.u32 s31, s7;
	s11 =	sor.u32 s0, s3;
	v3 =	vadd.f32 v3, v6;
	v6 =	vld [tilespmem:s5+$0x0]  }
0x32f: {  	s12 =	sor.u32 s31, s3;
	s17 =	sor.u32 s30, s3;
	s3 =	sld [smem:$0x7D3];
	v1 =	vadd.f32 v1, v2;
	[tilespmem:s28+$0x12000] =	vst v4;
	v4 =	vld [tilespmem:s21+$0x0]  }
0x330: {  	v55 =	vld [tilespmem:s2+$0x0];
	v2 =	vmul.f32 $2.500000000e-01, v3  }
0x331: {  	s15 =	sor.u32 s0, s7;
	s7 =	sor.u32 s30, s7;
	s9 =	sor.u32 s31, s4;
	v1 =	vmul.f32 $2.500000000e-01, v1;
	v3 =	vld [tilespmem:s13+$0x0]  }
0x332: {  	s16 =	sor.u32 s0, s4;
	s25 =	sor.u32 s30, s4;
	s4 =	rddreg [dreg:$0xa];
	v5 =	vadd.f32 v7, v5;
	v7 =	vadd.f32 v54, v8;
	v8 =	vld [tilespmem:s7+$0x0];
	[tilespmem:s3+$0x12000] =	vst v2  }
0x333: {  	s29 =	sor.u32 s31, s19;
	v2 =	vld [tilespmem:s26+$0x0];
	[tilespmem:s4+$0x12000] =	vst v1  }
0x334: {  	s14 =	sor.u32 s0, s19;
	s18 =	sor.u32 s0, s23;
	s7 =	sld [smem:$0x7D4];
	v5 =	vadd.f32 v7, v5;
	v1 =	vadd.f32 v4, v6;
	v4 =	vld [tilespmem:s6+$0x0]  }
0x335: {  	s22 =	sor.u32 s31, s23;
	s5 =	sor.u32 s30, s19;
	s19 =	sld [smem:$0x7D5];
	v6 =	vld [tilespmem:s24+$0x0]  }
0x336: {  	s21 =	sor.u32 s30, s23;
	s28 =	sld [smem:$0x7D6];
	v56 =	vld [tilespmem:s15+$0x0];
	s15 =	sor.u32 $0xE300, s8;
	v3 =	vadd.f32 v55, v3;
	v5 =	vmul.f32 $2.500000000e-01, v5  }
0x337: {  	v7 =	vld [tilespmem:s10+$0x0];
	s13 =	smov.u32 s7;
	s7 =	sor.u32 $0xE280, s8;
	s6 =	sor.u32 $0xE200, s8  }
0x338: {  	v57 =	vld [tilespmem:s20+$0x0];
	s26 =	sor.u32 s1, s15;
	s2 =	sor.u32 s31, s15;
	s23 =	sor.u32 s1, s6;
	v1 =	vadd.f32 v3, v1;
	[tilespmem:s19+$0x12000] =	vst v5  }
0x339: {  	s24 =	sor.u32 s1, s7;
	s8 =	sor.u32 $0xE380, s8;
	s4 =	sor.u32 s31, s7;
	v3 =	vld [tilespmem:s23+$0x0]  }
0x33a: {  	s3 =	sor.u32 s31, s6;
	s10 =	sor.u32 s31, s8;
	s31 =	sld [smem:$0x7D7];
	v2 =	vadd.f32 v8, v2;
	v5 =	vld [tilespmem:s24+$0x0];
	v1 =	vmul.f32 $2.500000000e-01, v1;
	v4 =	vadd.f32 v6, v4  }
0x33b: {  	s1 =	sor.u32 s1, s8;
	v6 =	vld [tilespmem:s26+$0x0]  }
0x33c: {  	[tilespmem:s28+$0x12000] =	vst v1;
	v1 =	vadd.f32 v4, v2;
	v2 =	vld [tilespmem:s1+$0x0]  }
0x33d: {  	v4 =	vld [tilespmem:s31+$0x0];
	_ =	sdelay $0x1  }
0x33e: {  	v8 =	vld [tilespmem:s12+$0x0];
	s12 =	sld [smem:$0x7D8]  }
0x33f: {  	v58 =	vld [tilespmem:s9+$0x0];
	v1 =	vmul.f32 $2.500000000e-01, v1  }
0x340: {  	v7 =	vadd.f32 v56, v7;
	v59 =	vld [tilespmem:s29+$0x0];
	v3 =	vadd.f32 v5, v3  }
0x341: {  	[tilespmem:s12+$0x12000] =	vst v1;
	v1 =	vld [tilespmem:s22+$0x0];
	v2 =	vadd.f32 v2, v6;
	v4 =	vadd.f32 v4, v57  }
0x342: {  	[dreg:$0xa] =	wrdreg s13;
	v5 =	vld [tilespmem:s17+$0x0]  }
0x343: {  	s26 =	sld [smem:$0x7D9];
	v6 =	vld [tilespmem:s25+$0x0];
	v2 =	vadd.f32 v2, v3;
	v3 =	vadd.f32 v4, v7  }
0x344: {  	s28 =	sld [smem:$0x7DA];
	v7 =	vld [tilespmem:s5+$0x0]  }
0x345: {  	s22 =	rddreg [dreg:$0x18];
	v4 =	vadd.f32 v58, v8;
	v8 =	vld [tilespmem:s21+$0x0];
	v3 =	vmul.f32 $2.500000000e-01, v3  }
0x346: {  	s29 =	rddreg [dreg:$0x1f];
	v61 =	vld [tilespmem:s22+$0x0];
	v2 =	vmul.f32 $2.500000000e-01, v2;
	v60 =	vadd.f32 v1, v59  }
0x347: {  	s13 =	sor.u32 s0, s7;
	s25 =	rddreg [dreg:$0x1a];
	v1 =	vld [tilespmem:s26+$0x0];
	[tilespmem:s28+$0x12000] =	vst v3  }
.Ltmp1:
0x348: {  	s20 =	sor.u32 s0, s6;
	s19 =	sor.u32 s0, s15;
	[tilespmem:s25+$0x12000] =	vst v2;
	v4 =	vadd.f32 v60, v4;
	v2 =	vld [tilespmem:s29+$0x0];
	(pc) =	sbr.rel @p1 .LBB2_4-.Ltmp1, $4  }
0x349: {  	s0 =	sor.u32 s0, s8;
	s15 =	sor.u32 s30, s15;
	s23 =	sor.u32 s30, s6;
	v3 =	vld [tilespmem:s11+$0x0]  }
0x34a: {  	s24 =	sor.u32 s30, s7;
	s1 =	sor.u32 s30, s8;
	s30 =	rddreg [dreg:$0x14];
	v62 =	vadd.f32 v6, v5;
	v5 =	vld [tilespmem:s16+$0x0];
	v7 =	vadd.f32 v8, v7;
	v63 =	vmul.f32 $2.500000000e-01, v4  }
0x34b: {  	s7 =	smov.u32 s13;
	s13 =	smov.u32 s19;
	s31 =	rddreg [dreg:$0x17];
	v6 =	vld [tilespmem:s18+$0x0]  }
0x34c: {  	s9 =	rddreg [dreg:$0x12];
	s12 =	smov.u32 s0;
	s0 =	sadd.s32 $0x40, s30;
	v0 =	vadd.f32 v61, v0;
	v4 =	vld [tilespmem:s14+$0x0];
	v7 =	vadd.f32 v7, v62;
	[tilespmem:s31+$0x12000] =	vst v63  }
0x34d: {  	_ =	sdelay $0x2  }
0x34e: {  	v8 =	vld [tilespmem:s3+$0x0]  }
0x34f: {  	v9 =	vld [tilespmem:s4+$0x0];
	v7 =	vmul.f32 $2.500000000e-01, v7;
	v3 =	vadd.f32 v5, v3;
	v4 =	vadd.f32 v6, v4  }
0x350: {  	v54 =	vld [tilespmem:s2+$0x0];
	s0 =	rddreg [dreg:$0xe]  }
0x351: {  	v55 =	vld [tilespmem:s10+$0x0];
	[tilespmem:s0+$0x12000] =	vst v7;
	v3 =	vadd.f32 v4, v3  }
0x352: {  	v56 =	vld [tilespmem:s23+$0x0]  }
0x353: {  	v7 =	vld [tilespmem:s24+$0x0];
	v3 =	vmul.f32 $2.500000000e-01, v3  }
0x354: {  	v10 =	vld [tilespmem:s15+$0x0];
	s0 =	rddreg [dreg:$0x10]  }
0x355: {  	v57 =	vld [tilespmem:s1+$0x0];
	[tilespmem:s0+$0x12000] =	vst v3  }
0x356: {  	v11 =	vld [tilespmem:s20+$0x0]  }
0x357: {  	v1 =	vadd.f32 v2, v1;
	v12 =	vld [tilespmem:s7+$0x0]  }
0x358: {  	v13 =	vld [tilespmem:s13+$0x0]  }
0x359: {  	v0 =	vadd.f32 v1, v0;
	v58 =	vld [tilespmem:s12+$0x0]  }
0x35a: {  	v8 =	vadd.f32 v9, v8;
	v4 =	vadd.f32 v55, v54  }
0x35b: {  	v60 =	vadd.f32 v7, v56;
	v3 =	vadd.f32 v57, v10  }
0x35c: {  	v0 =	vmul.f32 $2.500000000e-01, v0;
	v59 =	vadd.f32 v4, v8  }
0x35d: {  	s0 =	rddreg [dreg:$0x4];
	v3 =	vadd.f32 v3, v60  }
0x35e: {  	v1 =	vmul.f32 $2.500000000e-01, v59;
	[tilespmem:s0+$0x12000] =	vst v0;
	v61 =	vadd.f32 v12, v11;
	v2 =	vadd.f32 v58, v13  }
0x35f: {  	s0 =	rddreg [dreg:$0x8]  }
0x360: {  	v62 =	vmul.f32 $2.500000000e-01, v3;
	[tilespmem:s0+$0x12000] =	vst v1;
	v2 =	vadd.f32 v2, v61  }
0x361: {  	s0 =	rddreg [dreg:$0xa]  }
0x362: {  	[tilespmem:s0+$0x12000] =	vst v62;
	v63 =	vmul.f32 $2.500000000e-01, v2  }
0x363: {  	s0 =	rddreg [dreg:$0xc]  }
0x364: {  	[tilespmem:s0+$0x12000] =	vst v63  }
0x365: {  	s0 =	sld [smem:$0x7FC];
	_ =	sdelay $0x1  }
0x366: {  	s18 =	simm.s32 $0x0;
	s26 =	simm.s32 $0x12000;
	s28 =	simm.s32 $0x3  }
0x367: {  	[hbm4b:s0+s18] =	stream.linear.scatter [tilespmem:s26], [sflag:$0x4], $0x2000, $0x38;
	[tilespmem:$0x14000] =	vst v63  }
0x368: {  	_ =	swait.ge [sflag:s28], $0x2000  }
0x369: {  	[sflag:s28] =	ssyncset.done $0x0  }
0x36a: {  	s29 =	simm.s32 $0x4;
	[sflag:s28] =	ssyncadd.s32 $0xFFFFE000  }
0x36b: {  	_ =	swait.ge [sflag:s29], $0x2000  }
0x36c: {  	s30 =	sld [smem:$0x7F0]  }
0x36d: {  	s31 =	sld [smem:$0x7FD];
	_ =	sdelay $0x1  }
0x36e: {  	s2 =	sadd.s32 $0x1, s30  }
0x36f: {  	p0 =	sne.s32 s2, s31  }
.Ltmp2:
0x370: {  	_ = 	snop;
	(pc) =	sbr.rel @p0 .LBB2_1-.Ltmp2, $3  }
0x371: {  	_ =	sdelay $0x1  }
0x372: {  	[sflag:s29] =	ssyncset.done $0x0  }
0x373: {  	[sflag:s29] =	ssyncadd.s32 $0xFFFFE000  }
0x374: {  	_ =	sfence.sel $0x180000  }
0x375: {  	[bflag:$0x0] =	sbarrier.arrive $0xFFFF  }
0x376: {  	_ =	strace $0x90000047  }
0x377: {  	s0 =	stileid.u32;
	[bflag:$0x2] =	sbarrier.arrive $0xFFFF  }
0x378: {  	p0 =	sne.s32 s0, $0x0;
	s0 =	rddreg [dreg:$0x2]  }
0x379: {  	s0 =	sadd.s32 @!p0 $0x100000, s0  }
0x37a: {  	[sflag:s0] =	ssyncadd.tile.s32 @!p0 $0x1;
	_ =	shalt  }
.Lfunc_end2:
_tile_overlayer_lowered:
.L_overlay_start_2:
0x37b: {  	(tag) =	ssettag $0x2  }
0x37c: {  	s0 =	rddreg [dreg:$0x0];
	s2 =	stileid.u32  }
0x37d: {  	s1 =	rddreg [dreg:$0x1];
	p0 =	sne.s32 s2, $0x0  }
0x37e: {  	s3 =	rddreg [dreg:$0x2];
	[bflag:$0x3] =	sbarrier.arrive $0xFFFF;
	s2 =	simm.s32 @!p0 $0x1C05  }
0x37f: {  	[timem:s3], [sflag:s2] =	dma.local @!p0 [hbm:s0], s1  }
0x380: {  	s0 =	simm.s32 @!p0 $0x5  }
0x381: {  	_ =	swait.ge @!p0 [sflag:s0], s1  }
0x382: {  	s1 =	ssub.s32 @!p0 $0x0, s1;
	[sflag:s0] =	ssyncset.done @!p0 $0x0  }
0x383: {  	[sflag:s0] =	ssyncadd.s32 @!p0 s1  }
0x384: {  	[bflag:$0x3] =	sbarrier.arrive $0xFFFF  }
0x385: {  	_ =	shalt  }

</sc_bundles>
